<compile_context>
chip_gen: v7x
topology: tpu7x:2x2x1
jax: 0.10.2.dev20260603
libtpu: 0.0.44.dev20260713+nightly
codegen_flags: <defaults>
</compile_context>

<pallas_src>
import functools

import jax
import jax.numpy as jnp
from jax import lax
from jax.experimental import pallas as pl
from jax.experimental.pallas import tpu as pltpu
from jax.experimental.pallas import tpu_sc as plsc

NC = 2
NS = 16
NW = NC * NS
IDX_CHUNK = 512


def _sc_gather(theta, a_flat, prompt_a, prompt_b, b_col, user, item2, item2m):
    B = user.shape[0]
    L = theta.shape[1]
    PP = prompt_a.shape[1]
    bw = B // NW
    nchunk = bw // IDX_CHUNK
    mesh = plsc.VectorSubcoreMesh(core_axis_name="c", subcore_axis_name="s")

    @functools.partial(
        pl.kernel,
        out_type=[
            jax.ShapeDtypeStruct((B, L), jnp.float32),
            jax.ShapeDtypeStruct((B, L), jnp.float32),
            jax.ShapeDtypeStruct((B, PP), jnp.float32),
            jax.ShapeDtypeStruct((B, PP), jnp.float32),
            jax.ShapeDtypeStruct((B, 1), jnp.float32),
        ],
        mesh=mesh,
        compiler_params=pltpu.CompilerParams(use_tc_tiling_on_sc=False),
        scratch_types=[
            pltpu.VMEM((bw,), jnp.int32),
            pltpu.VMEM((bw,), jnp.int32),
            pltpu.VMEM((bw,), jnp.int32),
            pltpu.VMEM((bw, L), jnp.float32),
            pltpu.VMEM((bw, L), jnp.float32),
            pltpu.VMEM((bw, PP), jnp.float32),
            pltpu.VMEM((bw, PP), jnp.float32),
            pltpu.VMEM((bw, 1), jnp.float32),
            pltpu.SemaphoreType.DMA,
        ],
    )
    def gather_kernel(theta_hbm, a_hbm, pa_hbm, pb_hbm, b_hbm,
                      u_hbm, i2_hbm, im_hbm,
                      th_hbm, ar_hbm, par_hbm, pbr_hbm, bv_hbm,
                      u_v, i2_v, im_v, th_v, a_v, pa_v, pb_v, bv_v, sem):
        wid = lax.axis_index("s") * NC + lax.axis_index("c")
        base = wid * bw
        pltpu.sync_copy(u_hbm.at[pl.ds(base, bw)], u_v)
        pltpu.sync_copy(i2_hbm.at[pl.ds(base, bw)], i2_v)
        pltpu.sync_copy(im_hbm.at[pl.ds(base, bw)], im_v)
        cps = []
        for c in range(nchunk):
            sl = pl.ds(c * IDX_CHUNK, IDX_CHUNK)
            cps.append(pltpu.async_copy(
                theta_hbm.at[u_v.at[sl]], th_v.at[sl], sem))
            cps.append(pltpu.async_copy(
                a_hbm.at[i2_v.at[sl]], a_v.at[sl], sem))
            cps.append(pltpu.async_copy(
                pa_hbm.at[im_v.at[sl]], pa_v.at[sl], sem))
            cps.append(pltpu.async_copy(
                pb_hbm.at[im_v.at[sl]], pb_v.at[sl], sem))
            cps.append(pltpu.async_copy(
                b_hbm.at[i2_v.at[sl]], bv_v.at[sl], sem))
        for cp in cps:
            cp.wait()
        pltpu.sync_copy(th_v, th_hbm.at[pl.ds(base, bw)])
        pltpu.sync_copy(a_v, ar_hbm.at[pl.ds(base, bw)])
        pltpu.sync_copy(pa_v, par_hbm.at[pl.ds(base, bw)])
        pltpu.sync_copy(pb_v, pbr_hbm.at[pl.ds(base, bw)])
        pltpu.sync_copy(bv_v, bv_hbm.at[pl.ds(base, bw)])

    return gather_kernel(theta, a_flat, prompt_a, prompt_b, b_col,
                         user, item2, item2m)


def _tc_score(th_rows, a_rows, pa_rows, pb_rows, bv, user, s_vectors,
              W1, b1, W2, b2, w3row, scl, boundary, interpret=False):
    B = th_rows.shape[0]
    L = th_rows.shape[1]
    PP = w3row.shape[1]
    S = s_vectors.shape[0]
    BLK = 2048
    grid = (B // BLK,)

    def body(th_ref, a_ref, pa_ref, pb_ref, bv_ref, u_ref, sv_ref,
             W1_ref, b1_ref, W2_ref, b2_ref, w3_ref, scl_ref, out_ref):
        f32 = jnp.float32

        def sig(x):
            return 1.0 / (1.0 + jnp.exp(-x))

        th = th_ref[...]
        a = a_ref[...]
        pa = pa_ref[...]
        pb = pb_ref[...]
        A = sig(
            jnp.dot(pa, W1_ref[:PP, :], preferred_element_type=f32)
            + jnp.dot(a, W1_ref[PP:, :], preferred_element_type=f32)
            + b1_ref[...][None, :])
        sv_c = jnp.dot(sv_ref[...], W2_ref[:PP, :], preferred_element_type=f32)
        src = u_ref[...] // boundary
        sv_sel = jnp.zeros((BLK, L), f32)
        for s in range(S):
            sv_sel = sv_sel + jnp.where(src == s, sv_c[s][None, :], 0.0)
        T = sig(
            sv_sel
            + jnp.dot(th, W2_ref[PP:, :], preferred_element_type=f32)
            + b2_ref[...][None, :])
        bcol = (jnp.sum(pb * w3_ref[...], axis=1, keepdims=True)
                + bv_ref[...] * scl_ref[0, 0] + scl_ref[0, 1])
        newb = sig(bcol)
        out_ref[...] = sig(
            jnp.sum(A * T, axis=1, keepdims=True) - newb)

    return pl.pallas_call(
        body,
        grid=grid,
        in_specs=[
            pl.BlockSpec((BLK, L), lambda i: (i, 0)),
            pl.BlockSpec((BLK, L), lambda i: (i, 0)),
            pl.BlockSpec((BLK, PP), lambda i: (i, 0)),
            pl.BlockSpec((BLK, PP), lambda i: (i, 0)),
            pl.BlockSpec((BLK, 1), lambda i: (i, 0)),
            pl.BlockSpec((BLK, 1), lambda i: (i, 0)),
            pl.BlockSpec((S, PP), lambda i: (0, 0)),
            pl.BlockSpec((PP + L, L), lambda i: (0, 0)),
            pl.BlockSpec((L,), lambda i: (0,)),
            pl.BlockSpec((PP + L, L), lambda i: (0, 0)),
            pl.BlockSpec((L,), lambda i: (0,)),
            pl.BlockSpec((1, PP), lambda i: (0, 0)),
            pl.BlockSpec((1, 2), lambda i: (0, 0)),
        ],
        out_specs=pl.BlockSpec((BLK, 1), lambda i: (i, 0)),
        out_shape=jax.ShapeDtypeStruct((B, 1), jnp.float32),
        interpret=interpret,
    )(th_rows, a_rows, pa_rows, pb_rows, bv.reshape(B, 1),
      user.reshape(B, 1), s_vectors, W1, b1, W2, b2, w3row, scl)


def kernel(user, item, item2, theta, s_vectors, a_stack, prompt_a,
           b_stack, prompt_b, W1, b1, W2, b2, W3, b3):
    S, I, L = a_stack.shape
    U = theta.shape[0]
    PP = prompt_a.shape[1]
    user32 = user.astype(jnp.int32)
    item2_32 = item2.astype(jnp.int32)
    item2m = item2_32 % jnp.int32(I)
    a_flat = a_stack.reshape(S * I, L)
    b_col = b_stack.reshape(S * I, 1)
    th_rows, a_rows, pa_rows, pb_rows, bv = _sc_gather(
        theta, a_flat, prompt_a, prompt_b, b_col, user32, item2_32, item2m)
    w3row = W3[:PP, 0].reshape(1, PP)
    scl = jnp.stack([W3[PP, 0], b3[0]]).reshape(1, 2)
    res = _tc_score(th_rows, a_rows, pa_rows, pb_rows, bv, user32, s_vectors,
                    W1, b1, W2, b2, w3row, scl, U // S)
    return res[:, 0]

# --- scband reference (transcript-rebuilt; emitter-appended) ---
"""Pipeline reference for scband-source-mirtnet-34248069218565 (READ-ONLY COPY).

The authoritative reference and input builder live on the scoring server;
editing this copy changes nothing except your own understanding.
"""

import jax, jax.numpy as jnp
import numpy as np

U = 100000
I = 100000
L = 64
PP = 32
B = 16384
S_RANGES = [(0, 49999), (50000, 99999)]
S = len(S_RANGES)


def setup_inputs(seed: int = 0) -> dict:
    key = jax.random.key(seed)
    ks = jax.random.split(key, 16)
    inp = {}
    inp["user"] = jax.random.randint(ks[0], (B,), 0, U)
    inp["item"] = jax.random.randint(ks[1], (B,), 0, I)
    inp["item2"] = jax.random.randint(ks[2], (B,), 0, S * I)
    inp["theta"] = jax.random.normal(ks[3], (U, L), dtype=jnp.float32) * 0.05
    inp["s_vectors"] = jax.random.normal(ks[4], (S, PP), dtype=jnp.float32) * 0.05
    inp["a_stack"] = jax.random.normal(ks[5], (S, I, L), dtype=jnp.float32) * 0.05
    inp["prompt_a"] = jax.random.normal(ks[6], (I, PP), dtype=jnp.float32) * 0.05
    inp["b_stack"] = jax.random.normal(ks[7], (S, I, 1), dtype=jnp.float32) * 0.05
    inp["prompt_b"] = jax.random.normal(ks[8], (I, PP), dtype=jnp.float32) * 0.05
    inp["W1"] = jax.random.normal(ks[9], (PP + L, L), dtype=jnp.float32) * (1.0 / np.sqrt(PP + L))
    inp["b1"] = jnp.zeros((L,), dtype=jnp.float32)
    inp["W2"] = jax.random.normal(ks[10], (PP + L, L), dtype=jnp.float32) * (1.0 / np.sqrt(PP + L))
    inp["b2"] = jnp.zeros((L,), dtype=jnp.float32)
    inp["W3"] = jax.random.normal(ks[11], (PP + 1, 1), dtype=jnp.float32) * (1.0 / np.sqrt(PP + 1))
    inp["b3"] = jnp.zeros((1,), dtype=jnp.float32)
    return inp


def reference(user, item, item2, theta, s_vectors, a_stack, prompt_a, b_stack, prompt_b, W1, b1, W2, b2, W3, b3):
    counts = np.array([r[1] - r[0] + 1 for r in S_RANGES])
    # new_a path: prompt_a tiled per source, concat with per-source a tables, gather by item2
    new_a_full = jnp.concatenate([jnp.tile(prompt_a, (S, 1)), a_stack.reshape(S * I, L)], axis=1)
    new_a = jnp.take(new_a_full, item2, axis=0) @ W1 + b1
    # theta path: per-source student vector repeated over its user range, concat with theta, gather by user
    temp_vectors = jnp.repeat(s_vectors, counts, axis=0)
    all_theta = jnp.concatenate([temp_vectors, theta], axis=1)
    new_theta = jnp.take(all_theta, user, axis=0) @ W2 + b2
    # b path
    new_b_full = jnp.concatenate([jnp.tile(prompt_b, (S, 1)), b_stack.reshape(S * I, 1)], axis=1)
    new_b = (jnp.take(new_b_full, item2, axis=0) @ W3 + b3)[:, 0]
    # a_range = 1 branch
    new_a = jax.nn.sigmoid(new_a)
    new_b = jax.nn.sigmoid(new_b)
    new_theta = jax.nn.sigmoid(new_theta)
    # irt2pl
    return 1.0 / (1.0 + jnp.exp(-jnp.sum(new_a * new_theta, axis=-1) + new_b))

if __name__ == "__main__":
    import jax
    _d = setup_inputs()
    print(jax.jit(kernel)(*tuple(_d.values())))

</pallas_src>

<mosaic_0001>
#map = affine_map<(d0, d1) -> (0, 0)>
#map1 = affine_map<(d0, d1) -> (0)>
module attributes {stable_mosaic.version = 14 : i64} {
  func.func @gather_kernel(%arg0: i32, %arg1: i32, %arg2: memref<100000x64xf32, #tpu.memory_space<hbm>>, %arg3: memref<200000x64xf32, #tpu.memory_space<hbm>>, %arg4: memref<100000x32xf32, #tpu.memory_space<hbm>>, %arg5: memref<100000x32xf32, #tpu.memory_space<hbm>>, %arg6: memref<200000x1xf32, #tpu.memory_space<hbm>>, %arg7: memref<16384xi32, #tpu.memory_space<hbm>>, %arg8: memref<16384xi32, #tpu.memory_space<hbm>>, %arg9: memref<16384xi32, #tpu.memory_space<hbm>>, %arg10: memref<16384x64xf32, #tpu.memory_space<hbm>>, %arg11: memref<16384x64xf32, #tpu.memory_space<hbm>>, %arg12: memref<16384x32xf32, #tpu.memory_space<hbm>>, %arg13: memref<16384x32xf32, #tpu.memory_space<hbm>>, %arg14: memref<16384x1xf32, #tpu.memory_space<hbm>>, %arg15: memref<512xi32, #tpu.memory_space<vmem>>, %arg16: memref<512xi32, #tpu.memory_space<vmem>>, %arg17: memref<512xi32, #tpu.memory_space<vmem>>, %arg18: memref<512x64xf32, #tpu.memory_space<vmem>>, %arg19: memref<512x64xf32, #tpu.memory_space<vmem>>, %arg20: memref<512x32xf32, #tpu.memory_space<vmem>>, %arg21: memref<512x32xf32, #tpu.memory_space<vmem>>, %arg22: memref<512x1xf32, #tpu.memory_space<vmem>>, %arg23: memref<!tpu.dma_semaphore, #tpu.memory_space<semaphore_mem>>) attributes {dimension_semantics = [#tpu.dimension_semantics<core_parallel>, #tpu.dimension_semantics<subcore_parallel>], iteration_bounds = array<i64: 2, 16>, scalar_prefetch = 0 : i64, scratch_operands = 9 : i64, tpu.core_type = #tpu.core_type<sc_vector_subcore>, window_params = [{transform_indices = #map}, {transform_indices = #map}, {transform_indices = #map}, {transform_indices = #map}, {transform_indices = #map}, {transform_indices = #map1}, {transform_indices = #map1}, {transform_indices = #map1}, {transform_indices = #map}, {transform_indices = #map}, {transform_indices = #map}, {transform_indices = #map}, {transform_indices = #map}]} {
    %mul3A = arith.constant 2 : i32
    %mul3A_0 = arith.muli %arg1, %mul3A : i32
    %add3A = arith.addi %mul3A_0, %arg0 : i32
    %mul3A_1 = arith.constant 512 : i32
    %mul3A_2 = arith.muli %add3A, %mul3A_1 : i32
    "tpu.region"() ({
      %run_scoped3A = tpu.sem_alloc : memref<!tpu.dma_semaphore, #tpu.memory_space<semaphore_mem>>
      %dma_start3A_81 = tpu.memref_slice %arg7[%mul3A_2] : memref<16384xi32, #tpu.memory_space<hbm>> -> memref<512xi32, #tpu.memory_space<hbm>>
      %dma_start3A_82 = tpu.memref_slice %arg7[%mul3A_2] : memref<16384xi32, #tpu.memory_space<hbm>> -> memref<512xi32, #tpu.memory_space<hbm>>
      tpu.enqueue_dma source(%dma_start3A_82 : memref<512xi32, #tpu.memory_space<hbm>>) target(%arg15 : memref<512xi32, #tpu.memory_space<vmem>>) target_semaphore(%run_scoped3A : memref<!tpu.dma_semaphore, #tpu.memory_space<semaphore_mem>>)
      %dma_wait3A_83 = tpu.memref_slice %arg7[%mul3A_2] : memref<16384xi32, #tpu.memory_space<hbm>> -> memref<512xi32, #tpu.memory_space<hbm>>
      %dma_wait3A_84 = tpu.memref_slice %arg7[%mul3A_2] : memref<16384xi32, #tpu.memory_space<hbm>> -> memref<512xi32, #tpu.memory_space<hbm>>
      tpu.wait_dma2 semaphore(%run_scoped3A : memref<!tpu.dma_semaphore, #tpu.memory_space<semaphore_mem>>) src(%dma_wait3A_84 : memref<512xi32, #tpu.memory_space<hbm>>) dst(%arg15 : memref<512xi32, #tpu.memory_space<vmem>>)
      tpu.yield
    }) : () -> ()
    "tpu.region"() ({
      %run_scoped3A = tpu.sem_alloc : memref<!tpu.dma_semaphore, #tpu.memory_space<semaphore_mem>>
      %dma_start3A_81 = tpu.memref_slice %arg8[%mul3A_2] : memref<16384xi32, #tpu.memory_space<hbm>> -> memref<512xi32, #tpu.memory_space<hbm>>
      %dma_start3A_82 = tpu.memref_slice %arg8[%mul3A_2] : memref<16384xi32, #tpu.memory_space<hbm>> -> memref<512xi32, #tpu.memory_space<hbm>>
      tpu.enqueue_dma source(%dma_start3A_82 : memref<512xi32, #tpu.memory_space<hbm>>) target(%arg16 : memref<512xi32, #tpu.memory_space<vmem>>) target_semaphore(%run_scoped3A : memref<!tpu.dma_semaphore, #tpu.memory_space<semaphore_mem>>)
      %dma_wait3A_83 = tpu.memref_slice %arg8[%mul3A_2] : memref<16384xi32, #tpu.memory_space<hbm>> -> memref<512xi32, #tpu.memory_space<hbm>>
      %dma_wait3A_84 = tpu.memref_slice %arg8[%mul3A_2] : memref<16384xi32, #tpu.memory_space<hbm>> -> memref<512xi32, #tpu.memory_space<hbm>>
      tpu.wait_dma2 semaphore(%run_scoped3A : memref<!tpu.dma_semaphore, #tpu.memory_space<semaphore_mem>>) src(%dma_wait3A_84 : memref<512xi32, #tpu.memory_space<hbm>>) dst(%arg16 : memref<512xi32, #tpu.memory_space<vmem>>)
      tpu.yield
    }) : () -> ()
    "tpu.region"() ({
      %run_scoped3A = tpu.sem_alloc : memref<!tpu.dma_semaphore, #tpu.memory_space<semaphore_mem>>
      %dma_start3A_81 = tpu.memref_slice %arg9[%mul3A_2] : memref<16384xi32, #tpu.memory_space<hbm>> -> memref<512xi32, #tpu.memory_space<hbm>>
      %dma_start3A_82 = tpu.memref_slice %arg9[%mul3A_2] : memref<16384xi32, #tpu.memory_space<hbm>> -> memref<512xi32, #tpu.memory_space<hbm>>
      tpu.enqueue_dma source(%dma_start3A_82 : memref<512xi32, #tpu.memory_space<hbm>>) target(%arg17 : memref<512xi32, #tpu.memory_space<vmem>>) target_semaphore(%run_scoped3A : memref<!tpu.dma_semaphore, #tpu.memory_space<semaphore_mem>>)
      %dma_wait3A_83 = tpu.memref_slice %arg9[%mul3A_2] : memref<16384xi32, #tpu.memory_space<hbm>> -> memref<512xi32, #tpu.memory_space<hbm>>
      %dma_wait3A_84 = tpu.memref_slice %arg9[%mul3A_2] : memref<16384xi32, #tpu.memory_space<hbm>> -> memref<512xi32, #tpu.memory_space<hbm>>
      tpu.wait_dma2 semaphore(%run_scoped3A : memref<!tpu.dma_semaphore, #tpu.memory_space<semaphore_mem>>) src(%dma_wait3A_84 : memref<512xi32, #tpu.memory_space<hbm>>) dst(%arg17 : memref<512xi32, #tpu.memory_space<vmem>>)
      tpu.yield
    }) : () -> ()
    %dma_start3A = arith.constant 0 : i32
    %dma_start3A_3 = arith.constant 0 : i32
    %dma_start3A_4 = tpu.memref_slice %arg18[%dma_start3A, %dma_start3A_3] : memref<512x64xf32, #tpu.memory_space<vmem>> -> memref<512x64xf32, #tpu.memory_space<vmem>>
    %dma_start3A_5 = arith.constant 0 : i32
    %dma_start3A_6 = tpu.memref_slice %arg15[%dma_start3A_5] : memref<512xi32, #tpu.memory_space<vmem>> -> memref<512xi32, #tpu.memory_space<vmem>>
    %dma_start3A_7 = arith.constant 0 : i32
    %dma_start3A_8 = arith.constant 0 : i32
    %dma_start3A_9 = tpu.memref_slice %arg2[%dma_start3A_7, %dma_start3A_8] : memref<100000x64xf32, #tpu.memory_space<hbm>> -> memref<100000x64xf32, #tpu.memory_space<hbm>>
    tpu.enqueue_indirect_dma source(%dma_start3A_9 : memref<100000x64xf32, #tpu.memory_space<hbm>>) target(%dma_start3A_4 : memref<512x64xf32, #tpu.memory_space<vmem>>) offsets(%dma_start3A_6 : memref<512xi32, #tpu.memory_space<vmem>>) semaphore(%arg23 : memref<!tpu.dma_semaphore, #tpu.memory_space<semaphore_mem>>)
    %dma_start3A_10 = arith.constant 0 : i32
    %dma_start3A_11 = arith.constant 0 : i32
    %dma_start3A_12 = tpu.memref_slice %arg19[%dma_start3A_10, %dma_start3A_11] : memref<512x64xf32, #tpu.memory_space<vmem>> -> memref<512x64xf32, #tpu.memory_space<vmem>>
    %dma_start3A_13 = arith.constant 0 : i32
    %dma_start3A_14 = tpu.memref_slice %arg16[%dma_start3A_13] : memref<512xi32, #tpu.memory_space<vmem>> -> memref<512xi32, #tpu.memory_space<vmem>>
    %dma_start3A_15 = arith.constant 0 : i32
    %dma_start3A_16 = arith.constant 0 : i32
    %dma_start3A_17 = tpu.memref_slice %arg3[%dma_start3A_15, %dma_start3A_16] : memref<200000x64xf32, #tpu.memory_space<hbm>> -> memref<200000x64xf32, #tpu.memory_space<hbm>>
    tpu.enqueue_indirect_dma source(%dma_start3A_17 : memref<200000x64xf32, #tpu.memory_space<hbm>>) target(%dma_start3A_12 : memref<512x64xf32, #tpu.memory_space<vmem>>) offsets(%dma_start3A_14 : memref<512xi32, #tpu.memory_space<vmem>>) semaphore(%arg23 : memref<!tpu.dma_semaphore, #tpu.memory_space<semaphore_mem>>)
    %dma_start3A_18 = arith.constant 0 : i32
    %dma_start3A_19 = arith.constant 0 : i32
    %dma_start3A_20 = tpu.memref_slice %arg20[%dma_start3A_18, %dma_start3A_19] : memref<512x32xf32, #tpu.memory_space<vmem>> -> memref<512x32xf32, #tpu.memory_space<vmem>>
    %dma_start3A_21 = arith.constant 0 : i32
    %dma_start3A_22 = tpu.memref_slice %arg17[%dma_start3A_21] : memref<512xi32, #tpu.memory_space<vmem>> -> memref<512xi32, #tpu.memory_space<vmem>>
    %dma_start3A_23 = arith.constant 0 : i32
    %dma_start3A_24 = arith.constant 0 : i32
    %dma_start3A_25 = tpu.memref_slice %arg4[%dma_start3A_23, %dma_start3A_24] : memref<100000x32xf32, #tpu.memory_space<hbm>> -> memref<100000x32xf32, #tpu.memory_space<hbm>>
    tpu.enqueue_indirect_dma source(%dma_start3A_25 : memref<100000x32xf32, #tpu.memory_space<hbm>>) target(%dma_start3A_20 : memref<512x32xf32, #tpu.memory_space<vmem>>) offsets(%dma_start3A_22 : memref<512xi32, #tpu.memory_space<vmem>>) semaphore(%arg23 : memref<!tpu.dma_semaphore, #tpu.memory_space<semaphore_mem>>)
    %dma_start3A_26 = arith.constant 0 : i32
    %dma_start3A_27 = arith.constant 0 : i32
    %dma_start3A_28 = tpu.memref_slice %arg21[%dma_start3A_26, %dma_start3A_27] : memref<512x32xf32, #tpu.memory_space<vmem>> -> memref<512x32xf32, #tpu.memory_space<vmem>>
    %dma_start3A_29 = arith.constant 0 : i32
    %dma_start3A_30 = tpu.memref_slice %arg17[%dma_start3A_29] : memref<512xi32, #tpu.memory_space<vmem>> -> memref<512xi32, #tpu.memory_space<vmem>>
    %dma_start3A_31 = arith.constant 0 : i32
    %dma_start3A_32 = arith.constant 0 : i32
    %dma_start3A_33 = tpu.memref_slice %arg5[%dma_start3A_31, %dma_start3A_32] : memref<100000x32xf32, #tpu.memory_space<hbm>> -> memref<100000x32xf32, #tpu.memory_space<hbm>>
    tpu.enqueue_indirect_dma source(%dma_start3A_33 : memref<100000x32xf32, #tpu.memory_space<hbm>>) target(%dma_start3A_28 : memref<512x32xf32, #tpu.memory_space<vmem>>) offsets(%dma_start3A_30 : memref<512xi32, #tpu.memory_space<vmem>>) semaphore(%arg23 : memref<!tpu.dma_semaphore, #tpu.memory_space<semaphore_mem>>)
    %dma_start3A_34 = arith.constant 0 : i32
    %dma_start3A_35 = arith.constant 0 : i32
    %dma_start3A_36 = tpu.memref_slice %arg22[%dma_start3A_34, %dma_start3A_35] : memref<512x1xf32, #tpu.memory_space<vmem>> -> memref<512x1xf32, #tpu.memory_space<vmem>>
    %dma_start3A_37 = arith.constant 0 : i32
    %dma_start3A_38 = tpu.memref_slice %arg16[%dma_start3A_37] : memref<512xi32, #tpu.memory_space<vmem>> -> memref<512xi32, #tpu.memory_space<vmem>>
    %dma_start3A_39 = arith.constant 0 : i32
    %dma_start3A_40 = arith.constant 0 : i32
    %dma_start3A_41 = tpu.memref_slice %arg6[%dma_start3A_39, %dma_start3A_40] : memref<200000x1xf32, #tpu.memory_space<hbm>> -> memref<200000x1xf32, #tpu.memory_space<hbm>>
    tpu.enqueue_indirect_dma source(%dma_start3A_41 : memref<200000x1xf32, #tpu.memory_space<hbm>>) target(%dma_start3A_36 : memref<512x1xf32, #tpu.memory_space<vmem>>) offsets(%dma_start3A_38 : memref<512xi32, #tpu.memory_space<vmem>>) semaphore(%arg23 : memref<!tpu.dma_semaphore, #tpu.memory_space<semaphore_mem>>)
    %dma_wait3A = arith.constant 0 : i32
    %dma_wait3A_42 = arith.constant 0 : i32
    %dma_wait3A_43 = tpu.memref_slice %arg18[%dma_wait3A, %dma_wait3A_42] : memref<512x64xf32, #tpu.memory_space<vmem>> -> memref<512x64xf32, #tpu.memory_space<vmem>>
    %dma_wait3A_44 = arith.constant 0 : i32
    %dma_wait3A_45 = tpu.memref_slice %arg15[%dma_wait3A_44] : memref<512xi32, #tpu.memory_space<vmem>> -> memref<512xi32, #tpu.memory_space<vmem>>
    %dma_wait3A_46 = arith.constant 0 : i32
    %dma_wait3A_47 = arith.constant 0 : i32
    %dma_wait3A_48 = tpu.memref_slice %arg2[%dma_wait3A_46, %dma_wait3A_47] : memref<100000x64xf32, #tpu.memory_space<hbm>> -> memref<100000x64xf32, #tpu.memory_space<hbm>>
    tpu.wait_indirect_dma semaphore(%arg23 : memref<!tpu.dma_semaphore, #tpu.memory_space<semaphore_mem>>) src(%dma_wait3A_48 : memref<100000x64xf32, #tpu.memory_space<hbm>>) dst(%dma_wait3A_43 : memref<512x64xf32, #tpu.memory_space<vmem>>)
    %dma_wait3A_49 = arith.constant 0 : i32
    %dma_wait3A_50 = arith.constant 0 : i32
    %dma_wait3A_51 = tpu.memref_slice %arg19[%dma_wait3A_49, %dma_wait3A_50] : memref<512x64xf32, #tpu.memory_space<vmem>> -> memref<512x64xf32, #tpu.memory_space<vmem>>
    %dma_wait3A_52 = arith.constant 0 : i32
    %dma_wait3A_53 = tpu.memref_slice %arg16[%dma_wait3A_52] : memref<512xi32, #tpu.memory_space<vmem>> -> memref<512xi32, #tpu.memory_space<vmem>>
    %dma_wait3A_54 = arith.constant 0 : i32
    %dma_wait3A_55 = arith.constant 0 : i32
    %dma_wait3A_56 = tpu.memref_slice %arg3[%dma_wait3A_54, %dma_wait3A_55] : memref<200000x64xf32, #tpu.memory_space<hbm>> -> memref<200000x64xf32, #tpu.memory_space<hbm>>
    tpu.wait_indirect_dma semaphore(%arg23 : memref<!tpu.dma_semaphore, #tpu.memory_space<semaphore_mem>>) src(%dma_wait3A_56 : memref<200000x64xf32, #tpu.memory_space<hbm>>) dst(%dma_wait3A_51 : memref<512x64xf32, #tpu.memory_space<vmem>>)
    %dma_wait3A_57 = arith.constant 0 : i32
    %dma_wait3A_58 = arith.constant 0 : i32
    %dma_wait3A_59 = tpu.memref_slice %arg20[%dma_wait3A_57, %dma_wait3A_58] : memref<512x32xf32, #tpu.memory_space<vmem>> -> memref<512x32xf32, #tpu.memory_space<vmem>>
    %dma_wait3A_60 = arith.constant 0 : i32
    %dma_wait3A_61 = tpu.memref_slice %arg17[%dma_wait3A_60] : memref<512xi32, #tpu.memory_space<vmem>> -> memref<512xi32, #tpu.memory_space<vmem>>
    %dma_wait3A_62 = arith.constant 0 : i32
    %dma_wait3A_63 = arith.constant 0 : i32
    %dma_wait3A_64 = tpu.memref_slice %arg4[%dma_wait3A_62, %dma_wait3A_63] : memref<100000x32xf32, #tpu.memory_space<hbm>> -> memref<100000x32xf32, #tpu.memory_space<hbm>>
    tpu.wait_indirect_dma semaphore(%arg23 : memref<!tpu.dma_semaphore, #tpu.memory_space<semaphore_mem>>) src(%dma_wait3A_64 : memref<100000x32xf32, #tpu.memory_space<hbm>>) dst(%dma_wait3A_59 : memref<512x32xf32, #tpu.memory_space<vmem>>)
    %dma_wait3A_65 = arith.constant 0 : i32
    %dma_wait3A_66 = arith.constant 0 : i32
    %dma_wait3A_67 = tpu.memref_slice %arg21[%dma_wait3A_65, %dma_wait3A_66] : memref<512x32xf32, #tpu.memory_space<vmem>> -> memref<512x32xf32, #tpu.memory_space<vmem>>
    %dma_wait3A_68 = arith.constant 0 : i32
    %dma_wait3A_69 = tpu.memref_slice %arg17[%dma_wait3A_68] : memref<512xi32, #tpu.memory_space<vmem>> -> memref<512xi32, #tpu.memory_space<vmem>>
    %dma_wait3A_70 = arith.constant 0 : i32
    %dma_wait3A_71 = arith.constant 0 : i32
    %dma_wait3A_72 = tpu.memref_slice %arg5[%dma_wait3A_70, %dma_wait3A_71] : memref<100000x32xf32, #tpu.memory_space<hbm>> -> memref<100000x32xf32, #tpu.memory_space<hbm>>
    tpu.wait_indirect_dma semaphore(%arg23 : memref<!tpu.dma_semaphore, #tpu.memory_space<semaphore_mem>>) src(%dma_wait3A_72 : memref<100000x32xf32, #tpu.memory_space<hbm>>) dst(%dma_wait3A_67 : memref<512x32xf32, #tpu.memory_space<vmem>>)
    %dma_wait3A_73 = arith.constant 0 : i32
    %dma_wait3A_74 = arith.constant 0 : i32
    %dma_wait3A_75 = tpu.memref_slice %arg22[%dma_wait3A_73, %dma_wait3A_74] : memref<512x1xf32, #tpu.memory_space<vmem>> -> memref<512x1xf32, #tpu.memory_space<vmem>>
    %dma_wait3A_76 = arith.constant 0 : i32
    %dma_wait3A_77 = tpu.memref_slice %arg16[%dma_wait3A_76] : memref<512xi32, #tpu.memory_space<vmem>> -> memref<512xi32, #tpu.memory_space<vmem>>
    %dma_wait3A_78 = arith.constant 0 : i32
    %dma_wait3A_79 = arith.constant 0 : i32
    %dma_wait3A_80 = tpu.memref_slice %arg6[%dma_wait3A_78, %dma_wait3A_79] : memref<200000x1xf32, #tpu.memory_space<hbm>> -> memref<200000x1xf32, #tpu.memory_space<hbm>>
    tpu.wait_indirect_dma semaphore(%arg23 : memref<!tpu.dma_semaphore, #tpu.memory_space<semaphore_mem>>) src(%dma_wait3A_80 : memref<200000x1xf32, #tpu.memory_space<hbm>>) dst(%dma_wait3A_75 : memref<512x1xf32, #tpu.memory_space<vmem>>)
    "tpu.region"() ({
      %run_scoped3A = tpu.sem_alloc : memref<!tpu.dma_semaphore, #tpu.memory_space<semaphore_mem>>
      %dma_start3A_81 = arith.constant 0 : i32
      %dma_start3A_82 = tpu.memref_slice %arg10[%mul3A_2, %dma_start3A_81] : memref<16384x64xf32, #tpu.memory_space<hbm>> -> memref<512x64xf32, #tpu.memory_space<hbm>>
      %dma_start3A_83 = arith.constant 0 : i32
      %dma_start3A_84 = tpu.memref_slice %arg10[%mul3A_2, %dma_start3A_83] : memref<16384x64xf32, #tpu.memory_space<hbm>> -> memref<512x64xf32, #tpu.memory_space<hbm>>
      tpu.enqueue_dma source(%arg18 : memref<512x64xf32, #tpu.memory_space<vmem>>) target(%dma_start3A_84 : memref<512x64xf32, #tpu.memory_space<hbm>>) target_semaphore(%run_scoped3A : memref<!tpu.dma_semaphore, #tpu.memory_space<semaphore_mem>>)
      %dma_wait3A_85 = arith.constant 0 : i32
      %dma_wait3A_86 = tpu.memref_slice %arg10[%mul3A_2, %dma_wait3A_85] : memref<16384x64xf32, #tpu.memory_space<hbm>> -> memref<512x64xf32, #tpu.memory_space<hbm>>
      %dma_wait3A_87 = arith.constant 0 : i32
      %dma_wait3A_88 = tpu.memref_slice %arg10[%mul3A_2, %dma_wait3A_87] : memref<16384x64xf32, #tpu.memory_space<hbm>> -> memref<512x64xf32, #tpu.memory_space<hbm>>
      tpu.wait_dma2 semaphore(%run_scoped3A : memref<!tpu.dma_semaphore, #tpu.memory_space<semaphore_mem>>) src(%arg18 : memref<512x64xf32, #tpu.memory_space<vmem>>) dst(%dma_wait3A_88 : memref<512x64xf32, #tpu.memory_space<hbm>>)
      tpu.yield
    }) : () -> ()
    "tpu.region"() ({
      %run_scoped3A = tpu.sem_alloc : memref<!tpu.dma_semaphore, #tpu.memory_space<semaphore_mem>>
      %dma_start3A_81 = arith.constant 0 : i32
      %dma_start3A_82 = tpu.memref_slice %arg11[%mul3A_2, %dma_start3A_81] : memref<16384x64xf32, #tpu.memory_space<hbm>> -> memref<512x64xf32, #tpu.memory_space<hbm>>
      %dma_start3A_83 = arith.constant 0 : i32
      %dma_start3A_84 = tpu.memref_slice %arg11[%mul3A_2, %dma_start3A_83] : memref<16384x64xf32, #tpu.memory_space<hbm>> -> memref<512x64xf32, #tpu.memory_space<hbm>>
      tpu.enqueue_dma source(%arg19 : memref<512x64xf32, #tpu.memory_space<vmem>>) target(%dma_start3A_84 : memref<512x64xf32, #tpu.memory_space<hbm>>) target_semaphore(%run_scoped3A : memref<!tpu.dma_semaphore, #tpu.memory_space<semaphore_mem>>)
      %dma_wait3A_85 = arith.constant 0 : i32
      %dma_wait3A_86 = tpu.memref_slice %arg11[%mul3A_2, %dma_wait3A_85] : memref<16384x64xf32, #tpu.memory_space<hbm>> -> memref<512x64xf32, #tpu.memory_space<hbm>>
      %dma_wait3A_87 = arith.constant 0 : i32
      %dma_wait3A_88 = tpu.memref_slice %arg11[%mul3A_2, %dma_wait3A_87] : memref<16384x64xf32, #tpu.memory_space<hbm>> -> memref<512x64xf32, #tpu.memory_space<hbm>>
      tpu.wait_dma2 semaphore(%run_scoped3A : memref<!tpu.dma_semaphore, #tpu.memory_space<semaphore_mem>>) src(%arg19 : memref<512x64xf32, #tpu.memory_space<vmem>>) dst(%dma_wait3A_88 : memref<512x64xf32, #tpu.memory_space<hbm>>)
      tpu.yield
    }) : () -> ()
    "tpu.region"() ({
      %run_scoped3A = tpu.sem_alloc : memref<!tpu.dma_semaphore, #tpu.memory_space<semaphore_mem>>
      %dma_start3A_81 = arith.constant 0 : i32
      %dma_start3A_82 = tpu.memref_slice %arg12[%mul3A_2, %dma_start3A_81] : memref<16384x32xf32, #tpu.memory_space<hbm>> -> memref<512x32xf32, #tpu.memory_space<hbm>>
      %dma_start3A_83 = arith.constant 0 : i32
      %dma_start3A_84 = tpu.memref_slice %arg12[%mul3A_2, %dma_start3A_83] : memref<16384x32xf32, #tpu.memory_space<hbm>> -> memref<512x32xf32, #tpu.memory_space<hbm>>
      tpu.enqueue_dma source(%arg20 : memref<512x32xf32, #tpu.memory_space<vmem>>) target(%dma_start3A_84 : memref<512x32xf32, #tpu.memory_space<hbm>>) target_semaphore(%run_scoped3A : memref<!tpu.dma_semaphore, #tpu.memory_space<semaphore_mem>>)
      %dma_wait3A_85 = arith.constant 0 : i32
      %dma_wait3A_86 = tpu.memref_slice %arg12[%mul3A_2, %dma_wait3A_85] : memref<16384x32xf32, #tpu.memory_space<hbm>> -> memref<512x32xf32, #tpu.memory_space<hbm>>
      %dma_wait3A_87 = arith.constant 0 : i32
      %dma_wait3A_88 = tpu.memref_slice %arg12[%mul3A_2, %dma_wait3A_87] : memref<16384x32xf32, #tpu.memory_space<hbm>> -> memref<512x32xf32, #tpu.memory_space<hbm>>
      tpu.wait_dma2 semaphore(%run_scoped3A : memref<!tpu.dma_semaphore, #tpu.memory_space<semaphore_mem>>) src(%arg20 : memref<512x32xf32, #tpu.memory_space<vmem>>) dst(%dma_wait3A_88 : memref<512x32xf32, #tpu.memory_space<hbm>>)
      tpu.yield
    }) : () -> ()
    "tpu.region"() ({
      %run_scoped3A = tpu.sem_alloc : memref<!tpu.dma_semaphore, #tpu.memory_space<semaphore_mem>>
      %dma_start3A_81 = arith.constant 0 : i32
      %dma_start3A_82 = tpu.memref_slice %arg13[%mul3A_2, %dma_start3A_81] : memref<16384x32xf32, #tpu.memory_space<hbm>> -> memref<512x32xf32, #tpu.memory_space<hbm>>
      %dma_start3A_83 = arith.constant 0 : i32
      %dma_start3A_84 = tpu.memref_slice %arg13[%mul3A_2, %dma_start3A_83] : memref<16384x32xf32, #tpu.memory_space<hbm>> -> memref<512x32xf32, #tpu.memory_space<hbm>>
      tpu.enqueue_dma source(%arg21 : memref<512x32xf32, #tpu.memory_space<vmem>>) target(%dma_start3A_84 : memref<512x32xf32, #tpu.memory_space<hbm>>) target_semaphore(%run_scoped3A : memref<!tpu.dma_semaphore, #tpu.memory_space<semaphore_mem>>)
      %dma_wait3A_85 = arith.constant 0 : i32
      %dma_wait3A_86 = tpu.memref_slice %arg13[%mul3A_2, %dma_wait3A_85] : memref<16384x32xf32, #tpu.memory_space<hbm>> -> memref<512x32xf32, #tpu.memory_space<hbm>>
      %dma_wait3A_87 = arith.constant 0 : i32
      %dma_wait3A_88 = tpu.memref_slice %arg13[%mul3A_2, %dma_wait3A_87] : memref<16384x32xf32, #tpu.memory_space<hbm>> -> memref<512x32xf32, #tpu.memory_space<hbm>>
      tpu.wait_dma2 semaphore(%run_scoped3A : memref<!tpu.dma_semaphore, #tpu.memory_space<semaphore_mem>>) src(%arg21 : memref<512x32xf32, #tpu.memory_space<vmem>>) dst(%dma_wait3A_88 : memref<512x32xf32, #tpu.memory_space<hbm>>)
      tpu.yield
    }) : () -> ()
    "tpu.region"() ({
      %run_scoped3A = tpu.sem_alloc : memref<!tpu.dma_semaphore, #tpu.memory_space<semaphore_mem>>
      %dma_start3A_81 = arith.constant 0 : i32
      %dma_start3A_82 = tpu.memref_slice %arg14[%mul3A_2, %dma_start3A_81] : memref<16384x1xf32, #tpu.memory_space<hbm>> -> memref<512x1xf32, #tpu.memory_space<hbm>>
      %dma_start3A_83 = arith.constant 0 : i32
      %dma_start3A_84 = tpu.memref_slice %arg14[%mul3A_2, %dma_start3A_83] : memref<16384x1xf32, #tpu.memory_space<hbm>> -> memref<512x1xf32, #tpu.memory_space<hbm>>
      tpu.enqueue_dma source(%arg22 : memref<512x1xf32, #tpu.memory_space<vmem>>) target(%dma_start3A_84 : memref<512x1xf32, #tpu.memory_space<hbm>>) target_semaphore(%run_scoped3A : memref<!tpu.dma_semaphore, #tpu.memory_space<semaphore_mem>>)
      %dma_wait3A_85 = arith.constant 0 : i32
      %dma_wait3A_86 = tpu.memref_slice %arg14[%mul3A_2, %dma_wait3A_85] : memref<16384x1xf32, #tpu.memory_space<hbm>> -> memref<512x1xf32, #tpu.memory_space<hbm>>
      %dma_wait3A_87 = arith.constant 0 : i32
      %dma_wait3A_88 = tpu.memref_slice %arg14[%mul3A_2, %dma_wait3A_87] : memref<16384x1xf32, #tpu.memory_space<hbm>> -> memref<512x1xf32, #tpu.memory_space<hbm>>
      tpu.wait_dma2 semaphore(%run_scoped3A : memref<!tpu.dma_semaphore, #tpu.memory_space<semaphore_mem>>) src(%arg22 : memref<512x1xf32, #tpu.memory_space<vmem>>) dst(%dma_wait3A_88 : memref<512x1xf32, #tpu.memory_space<hbm>>)
      tpu.yield
    }) : () -> ()
    return
  }
}

module attributes {stable_mosaic.version = 14 : i64} {
  func.func @body(%arg0: i32, %arg1: memref<2048x64xf32, #tpu.memory_space<vmem>>, %arg2: memref<2048x64xf32, #tpu.memory_space<vmem>>, %arg3: memref<2048x32xf32, #tpu.memory_space<vmem>>, %arg4: memref<2048x32xf32, #tpu.memory_space<vmem>>, %arg5: memref<2048x1xf32, #tpu.memory_space<vmem>>, %arg6: memref<2048x1xi32, #tpu.memory_space<vmem>>, %arg7: memref<2x32xf32, #tpu.memory_space<vmem>>, %arg8: memref<96x64xf32, #tpu.memory_space<vmem>>, %arg9: memref<64xf32, #tpu.memory_space<vmem>>, %arg10: memref<96x64xf32, #tpu.memory_space<vmem>>, %arg11: memref<64xf32, #tpu.memory_space<vmem>>, %arg12: memref<1x32xf32, #tpu.memory_space<vmem>>, %arg13: memref<1x2xf32, #tpu.memory_space<vmem>>, %arg14: memref<2048x1xf32, #tpu.memory_space<vmem>>) attributes {dimension_semantics = [#tpu.dimension_semantics<arbitrary>], iteration_bounds = array<i64: 8>, scalar_prefetch = 0 : i64, scratch_operands = 0 : i64, tpu.core_type = #tpu.core_type<tc>, window_params = [{transform_indices = @transform_0, window_bounds = array<i64: 2048, 64>}, {transform_indices = @transform_1, window_bounds = array<i64: 2048, 64>}, {transform_indices = @transform_2, window_bounds = array<i64: 2048, 32>}, {transform_indices = @transform_3, window_bounds = array<i64: 2048, 32>}, {transform_indices = @transform_4, window_bounds = array<i64: 2048, 1>}, {transform_indices = @transform_5, window_bounds = array<i64: 2048, 1>}, {pipeline_mode = #tpu.pipeline_mode<synchronous>, transform_indices = @transform_6, window_bounds = array<i64: 2, 32>}, {pipeline_mode = #tpu.pipeline_mode<synchronous>, transform_indices = @transform_7, window_bounds = array<i64: 96, 64>}, {pipeline_mode = #tpu.pipeline_mode<synchronous>, transform_indices = @transform_8, window_bounds = array<i64: 64>}, {pipeline_mode = #tpu.pipeline_mode<synchronous>, transform_indices = @transform_9, window_bounds = array<i64: 96, 64>}, {pipeline_mode = #tpu.pipeline_mode<synchronous>, transform_indices = @transform_10, window_bounds = array<i64: 64>}, {pipeline_mode = #tpu.pipeline_mode<synchronous>, transform_indices = @transform_11, window_bounds = array<i64: 1, 32>}, {pipeline_mode = #tpu.pipeline_mode<synchronous>, transform_indices = @transform_12, window_bounds = array<i64: 1, 2>}, {transform_indices = @transform_13, window_bounds = array<i64: 2048, 1>}]} {
    %get3A = arith.constant 0 : index
    %get3A_0 = arith.constant 0 : index
    %get3A_1 = vector.load %arg1[%get3A, %get3A_0] : memref<2048x64xf32, #tpu.memory_space<vmem>>, vector<2048x64xf32>
    %get3A_2 = arith.constant 0 : index
    %get3A_3 = arith.constant 0 : index
    %get3A_4 = vector.load %arg2[%get3A_2, %get3A_3] : memref<2048x64xf32, #tpu.memory_space<vmem>>, vector<2048x64xf32>
    %get3A_5 = arith.constant 0 : index
    %get3A_6 = arith.constant 0 : index
    %get3A_7 = vector.load %arg3[%get3A_5, %get3A_6] : memref<2048x32xf32, #tpu.memory_space<vmem>>, vector<2048x32xf32>
    %get3A_8 = arith.constant 0 : index
    %get3A_9 = arith.constant 0 : index
    %get3A_10 = vector.load %arg4[%get3A_8, %get3A_9] : memref<2048x32xf32, #tpu.memory_space<vmem>>, vector<2048x32xf32>
    %get3A_11 = arith.constant 0 : index
    %get3A_12 = arith.constant 0 : index
    %get3A_13 = vector.load %arg8[%get3A_11, %get3A_12] : memref<96x64xf32, #tpu.memory_space<vmem>>, vector<32x64xf32>
    %dot_general3A = arith.constant dense<0.000000e+00> : vector<2048x64xf32>
    %dot_general3A_14 = tpu.matmul %get3A_7, %get3A_13, %dot_general3A {dimension_numbers = #tpu.dot_dimension_numbers<[1], [0], [0], [1], [0, 0, 1, 1], [], []>, transpose_lhs_hint = false} : vector<2048x32xf32>, vector<32x64xf32>, vector<2048x64xf32> -> vector<2048x64xf32>
    %get3A_15 = arith.constant 32 : index
    %get3A_16 = arith.constant 0 : index
    %get3A_17 = vector.load %arg8[%get3A_15, %get3A_16] : memref<96x64xf32, #tpu.memory_space<vmem>>, vector<64x64xf32>
    %dot_general3A_18 = arith.constant dense<0.000000e+00> : vector<2048x64xf32>
    %dot_general3A_19 = tpu.matmul %get3A_4, %get3A_17, %dot_general3A_18 {dimension_numbers = #tpu.dot_dimension_numbers<[1], [0], [0], [1], [0, 0, 1, 1], [], []>, transpose_lhs_hint = false} : vector<2048x64xf32>, vector<64x64xf32>, vector<2048x64xf32> -> vector<2048x64xf32>
    %add3A = arith.addf %dot_general3A_14, %dot_general3A_19 : vector<2048x64xf32>
    %get3A_20 = arith.constant 0 : index
    %get3A_21 = vector.load %arg9[%get3A_20] : memref<64xf32, #tpu.memory_space<vmem>>, vector<64xf32>
    %broadcast_in_dim3A = vector.shape_cast %get3A_21 : vector<64xf32> to vector<1x64xf32>
    %add3A_22 = vector.broadcast %broadcast_in_dim3A : vector<1x64xf32> to vector<2048x64xf32>
    %add3A_23 = arith.addf %add3A, %add3A_22 : vector<2048x64xf32>
    %neg3A = arith.constant 0.000000e+00 : f32
    %neg3A_24 = vector.broadcast %neg3A : f32 to vector<2048x64xf32>
    %neg3A_25 = arith.subf %neg3A_24, %add3A_23 : vector<2048x64xf32>
    %exp3A = math.exp %neg3A_25 : vector<2048x64xf32>
    %add3A_26 = arith.constant 1.000000e+00 : f32
    %add3A_27 = vector.broadcast %add3A_26 : f32 to vector<2048x64xf32>
    %add3A_28 = arith.addf %add3A_27, %exp3A : vector<2048x64xf32>
    %div3A = arith.constant 1.000000e+00 : f32
    %div3A_29 = vector.broadcast %div3A : f32 to vector<2048x64xf32>
    %div3A_30 = arith.divf %div3A_29, %add3A_28 : vector<2048x64xf32>
    %get3A_31 = arith.constant 0 : index
    %get3A_32 = arith.constant 0 : index
    %get3A_33 = vector.load %arg7[%get3A_31, %get3A_32] : memref<2x32xf32, #tpu.memory_space<vmem>>, vector<2x32xf32>
    %get3A_34 = arith.constant 0 : index
    %get3A_35 = arith.constant 0 : index
    %get3A_36 = vector.load %arg10[%get3A_34, %get3A_35] : memref<96x64xf32, #tpu.memory_space<vmem>>, vector<32x64xf32>
    %dot_general3A_37 = arith.constant dense<0.000000e+00> : vector<2x64xf32>
    %dot_general3A_38 = tpu.matmul %get3A_33, %get3A_36, %dot_general3A_37 {dimension_numbers = #tpu.dot_dimension_numbers<[1], [0], [0], [1], [0, 0, 1, 1], [], []>, transpose_lhs_hint = false} : vector<2x32xf32>, vector<32x64xf32>, vector<2x64xf32> -> vector<2x64xf32>
    %get3A_39 = arith.constant 0 : index
    %get3A_40 = arith.constant 0 : index
    %get3A_41 = vector.load %arg6[%get3A_39, %get3A_40] : memref<2048x1xi32, #tpu.memory_space<vmem>>, vector<2048x1xi32>
    %jit3A = arith.constant 50000 : i32
    %div3A_42 = vector.broadcast %jit3A : i32 to vector<2048x1xi32>
    %div3A_43 = arith.divsi %get3A_41, %div3A_42 : vector<2048x1xi32>
    %sign3A = arith.constant 0 : i32
    %sign3A_44 = vector.broadcast %sign3A : i32 to vector<2048x1xi32>
    %sign3A_45 = arith.cmpi sgt, %get3A_41, %sign3A_44 : vector<2048x1xi32>
    %sign3A_46 = arith.extui %sign3A_45 : vector<2048x1xi1> to vector<2048x1xi32>
    %sign3A_47 = arith.constant 0 : i32
    %sign3A_48 = vector.broadcast %sign3A_47 : i32 to vector<2048x1xi32>
    %sign3A_49 = arith.cmpi slt, %get3A_41, %sign3A_48 : vector<2048x1xi32>
    %sign3A_50 = arith.extui %sign3A_49 : vector<2048x1xi1> to vector<2048x1xi32>
    %sign3A_51 = arith.subi %sign3A_46, %sign3A_50 : vector<2048x1xi32>
    %sign3A_52 = arith.constant 0 : i32
    %sign3A_53 = arith.cmpi sgt, %jit3A, %sign3A_52 : i32
    %sign3A_54 = arith.extui %sign3A_53 : i1 to i32
    %sign3A_55 = arith.constant 0 : i32
    %sign3A_56 = arith.cmpi slt, %jit3A, %sign3A_55 : i32
    %sign3A_57 = arith.extui %sign3A_56 : i1 to i32
    %sign3A_58 = arith.subi %sign3A_54, %sign3A_57 : i32
    %ne3A = vector.broadcast %sign3A_58 : i32 to vector<2048x1xi32>
    %ne3A_59 = arith.cmpi ne, %sign3A_51, %ne3A : vector<2048x1xi32>
    %rem3A = vector.broadcast %jit3A : i32 to vector<2048x1xi32>
    %rem3A_60 = arith.remsi %get3A_41, %rem3A : vector<2048x1xi32>
    %ne3A_61 = arith.constant 0 : i32
    %ne3A_62 = vector.broadcast %ne3A_61 : i32 to vector<2048x1xi32>
    %ne3A_63 = arith.cmpi ne, %rem3A_60, %ne3A_62 : vector<2048x1xi32>
    %and3A = arith.andi %ne3A_59, %ne3A_63 : vector<2048x1xi1>
    %sub3A = arith.constant 1 : i32
    %sub3A_64 = vector.broadcast %sub3A : i32 to vector<2048x1xi32>
    %sub3A_65 = arith.subi %div3A_43, %sub3A_64 : vector<2048x1xi32>
    %select_n3A = arith.select %and3A, %sub3A_65, %div3A_43 : vector<2048x1xi1>, vector<2048x1xi32>
    %broadcast_in_dim3A_66 = arith.constant 0.000000e+00 : f32
    %broadcast_in_dim3A_67 = vector.broadcast %broadcast_in_dim3A_66 : f32 to vector<2048x64xf32>
    %eq3A = arith.constant 0 : i32
    %eq3A_68 = vector.broadcast %eq3A : i32 to vector<2048x1xi32>
    %eq3A_69 = arith.cmpi eq, %select_n3A, %eq3A_68 : vector<2048x1xi32>
    %slice3A = vector.extract_strided_slice %dot_general3A_38 {offsets = [0, 0], sizes = [1, 64], strides = [1, 1]} : vector<2x64xf32> to vector<1x64xf32>
    %squeeze3A = vector.shape_cast %slice3A : vector<1x64xf32> to vector<64xf32>
    %broadcast_in_dim3A_70 = vector.shape_cast %squeeze3A : vector<64xf32> to vector<1x64xf32>
    %jit3A_71 = arith.constant 0.000000e+00 : f32
    %broadcast_in_dim3A_72 = vector.shape_cast %eq3A_69 : vector<2048x1xi1> to vector<2048x1xi1>
    %broadcast_in_dim3A_73 = vector.broadcast %broadcast_in_dim3A_72 : vector<2048x1xi1> to vector<2048x64xi1>
    %broadcast_in_dim3A_74 = vector.shape_cast %broadcast_in_dim3A_70 : vector<1x64xf32> to vector<1x64xf32>
    %broadcast_in_dim3A_75 = vector.broadcast %broadcast_in_dim3A_74 : vector<1x64xf32> to vector<2048x64xf32>
    %broadcast_in_dim3A_76 = vector.broadcast %jit3A_71 : f32 to vector<2048x64xf32>
    %select_n3A_77 = arith.select %broadcast_in_dim3A_73, %broadcast_in_dim3A_75, %broadcast_in_dim3A_76 : vector<2048x64xi1>, vector<2048x64xf32>
    %add3A_78 = arith.addf %broadcast_in_dim3A_67, %select_n3A_77 : vector<2048x64xf32>
    %eq3A_79 = arith.constant 1 : i32
    %eq3A_80 = vector.broadcast %eq3A_79 : i32 to vector<2048x1xi32>
    %eq3A_81 = arith.cmpi eq, %select_n3A, %eq3A_80 : vector<2048x1xi32>
    %slice3A_82 = vector.extract_strided_slice %dot_general3A_38 {offsets = [1, 0], sizes = [1, 64], strides = [1, 1]} : vector<2x64xf32> to vector<1x64xf32>
    %squeeze3A_83 = vector.shape_cast %slice3A_82 : vector<1x64xf32> to vector<64xf32>
    %broadcast_in_dim3A_84 = vector.shape_cast %squeeze3A_83 : vector<64xf32> to vector<1x64xf32>
    %jit3A_85 = arith.constant 0.000000e+00 : f32
    %broadcast_in_dim3A_86 = vector.shape_cast %eq3A_81 : vector<2048x1xi1> to vector<2048x1xi1>
    %broadcast_in_dim3A_87 = vector.broadcast %broadcast_in_dim3A_86 : vector<2048x1xi1> to vector<2048x64xi1>
    %broadcast_in_dim3A_88 = vector.shape_cast %broadcast_in_dim3A_84 : vector<1x64xf32> to vector<1x64xf32>
    %broadcast_in_dim3A_89 = vector.broadcast %broadcast_in_dim3A_88 : vector<1x64xf32> to vector<2048x64xf32>
    %broadcast_in_dim3A_90 = vector.broadcast %jit3A_85 : f32 to vector<2048x64xf32>
    %select_n3A_91 = arith.select %broadcast_in_dim3A_87, %broadcast_in_dim3A_89, %broadcast_in_dim3A_90 : vector<2048x64xi1>, vector<2048x64xf32>
    %add3A_92 = arith.addf %add3A_78, %select_n3A_91 : vector<2048x64xf32>
    %get3A_93 = arith.constant 32 : index
    %get3A_94 = arith.constant 0 : index
    %get3A_95 = vector.load %arg10[%get3A_93, %get3A_94] : memref<96x64xf32, #tpu.memory_space<vmem>>, vector<64x64xf32>
    %dot_general3A_96 = arith.constant dense<0.000000e+00> : vector<2048x64xf32>
    %dot_general3A_97 = tpu.matmul %get3A_1, %get3A_95, %dot_general3A_96 {dimension_numbers = #tpu.dot_dimension_numbers<[1], [0], [0], [1], [0, 0, 1, 1], [], []>, transpose_lhs_hint = false} : vector<2048x64xf32>, vector<64x64xf32>, vector<2048x64xf32> -> vector<2048x64xf32>
    %add3A_98 = arith.addf %add3A_92, %dot_general3A_97 : vector<2048x64xf32>
    %get3A_99 = arith.constant 0 : index
    %get3A_100 = vector.load %arg11[%get3A_99] : memref<64xf32, #tpu.memory_space<vmem>>, vector<64xf32>
    %broadcast_in_dim3A_101 = vector.shape_cast %get3A_100 : vector<64xf32> to vector<1x64xf32>
    %add3A_102 = vector.broadcast %broadcast_in_dim3A_101 : vector<1x64xf32> to vector<2048x64xf32>
    %add3A_103 = arith.addf %add3A_98, %add3A_102 : vector<2048x64xf32>
    %neg3A_104 = arith.constant 0.000000e+00 : f32
    %neg3A_105 = vector.broadcast %neg3A_104 : f32 to vector<2048x64xf32>
    %neg3A_106 = arith.subf %neg3A_105, %add3A_103 : vector<2048x64xf32>
    %exp3A_107 = math.exp %neg3A_106 : vector<2048x64xf32>
    %add3A_108 = arith.constant 1.000000e+00 : f32
    %add3A_109 = vector.broadcast %add3A_108 : f32 to vector<2048x64xf32>
    %add3A_110 = arith.addf %add3A_109, %exp3A_107 : vector<2048x64xf32>
    %div3A_111 = arith.constant 1.000000e+00 : f32
    %div3A_112 = vector.broadcast %div3A_111 : f32 to vector<2048x64xf32>
    %div3A_113 = arith.divf %div3A_112, %add3A_110 : vector<2048x64xf32>
    %get3A_114 = arith.constant 0 : index
    %get3A_115 = arith.constant 0 : index
    %get3A_116 = vector.load %arg12[%get3A_114, %get3A_115] : memref<1x32xf32, #tpu.memory_space<vmem>>, vector<1x32xf32>
    %mul3A = vector.broadcast %get3A_116 : vector<1x32xf32> to vector<2048x32xf32>
    %mul3A_117 = arith.mulf %get3A_10, %mul3A : vector<2048x32xf32>
    %reduce_sum3A = arith.constant dense<0.000000e+00> : vector<2048xf32>
    %reduce_sum3A_118 = vector.multi_reduction <add>, %mul3A_117, %reduce_sum3A [1] : vector<2048x32xf32> to vector<2048xf32>
    %broadcast_in_dim3A_119 = vector.shape_cast %reduce_sum3A_118 : vector<2048xf32> to vector<2048x1xf32>
    %get3A_120 = arith.constant 0 : index
    %get3A_121 = arith.constant 0 : index
    %get3A_122 = vector.load %arg5[%get3A_120, %get3A_121] : memref<2048x1xf32, #tpu.memory_space<vmem>>, vector<2048x1xf32>
    %get3A_123 = arith.constant 0 : index
    %get3A_124 = arith.constant 0 : index
    %get3A_125 = vector.load %arg13[%get3A_123, %get3A_124] : memref<1x2xf32, #tpu.memory_space<vmem>>, vector<1x1xf32>
    %get3A_126 = vector.extract %get3A_125[0, 0] : f32 from vector<1x1xf32>
    %mul3A_127 = vector.broadcast %get3A_126 : f32 to vector<2048x1xf32>
    %mul3A_128 = arith.mulf %get3A_122, %mul3A_127 : vector<2048x1xf32>
    %add3A_129 = arith.addf %broadcast_in_dim3A_119, %mul3A_128 : vector<2048x1xf32>
    %get3A_130 = arith.constant 0 : index
    %get3A_131 = arith.constant 1 : index
    %get3A_132 = vector.load %arg13[%get3A_130, %get3A_131] : memref<1x2xf32, #tpu.memory_space<vmem>>, vector<1x1xf32>
    %get3A_133 = vector.extract %get3A_132[0, 0] : f32 from vector<1x1xf32>
    %add3A_134 = vector.broadcast %get3A_133 : f32 to vector<2048x1xf32>
    %add3A_135 = arith.addf %add3A_129, %add3A_134 : vector<2048x1xf32>
    %neg3A_136 = arith.constant 0.000000e+00 : f32
    %neg3A_137 = vector.broadcast %neg3A_136 : f32 to vector<2048x1xf32>
    %neg3A_138 = arith.subf %neg3A_137, %add3A_135 : vector<2048x1xf32>
    %exp3A_139 = math.exp %neg3A_138 : vector<2048x1xf32>
    %add3A_140 = arith.constant 1.000000e+00 : f32
    %add3A_141 = vector.broadcast %add3A_140 : f32 to vector<2048x1xf32>
    %add3A_142 = arith.addf %add3A_141, %exp3A_139 : vector<2048x1xf32>
    %div3A_143 = arith.constant 1.000000e+00 : f32
    %div3A_144 = vector.broadcast %div3A_143 : f32 to vector<2048x1xf32>
    %div3A_145 = arith.divf %div3A_144, %add3A_142 : vector<2048x1xf32>
    %mul3A_146 = arith.mulf %div3A_30, %div3A_113 : vector<2048x64xf32>
    %reduce_sum3A_147 = arith.constant dense<0.000000e+00> : vector<2048xf32>
    %reduce_sum3A_148 = vector.multi_reduction <add>, %mul3A_146, %reduce_sum3A_147 [1] : vector<2048x64xf32> to vector<2048xf32>
    %broadcast_in_dim3A_149 = vector.shape_cast %reduce_sum3A_148 : vector<2048xf32> to vector<2048x1xf32>
    %sub3A_150 = arith.subf %broadcast_in_dim3A_149, %div3A_145 : vector<2048x1xf32>
    %neg3A_151 = arith.constant 0.000000e+00 : f32
    %neg3A_152 = vector.broadcast %neg3A_151 : f32 to vector<2048x1xf32>
    %neg3A_153 = arith.subf %neg3A_152, %sub3A_150 : vector<2048x1xf32>
    %exp3A_154 = math.exp %neg3A_153 : vector<2048x1xf32>
    %add3A_155 = arith.constant 1.000000e+00 : f32
    %add3A_156 = vector.broadcast %add3A_155 : f32 to vector<2048x1xf32>
    %add3A_157 = arith.addf %add3A_156, %exp3A_154 : vector<2048x1xf32>
    %div3A_158 = arith.constant 1.000000e+00 : f32
    %div3A_159 = vector.broadcast %div3A_158 : f32 to vector<2048x1xf32>
    %div3A_160 = arith.divf %div3A_159, %add3A_157 : vector<2048x1xf32>
    %swap3A = arith.constant 0 : index
    %swap3A_161 = arith.constant 0 : index
    %swap3A_162 = vector.load %arg14[%swap3A, %swap3A_161] : memref<2048x1xf32, #tpu.memory_space<vmem>>, vector<2048x1xf32>
    tpu.vector_store %arg14[%swap3A, %swap3A_161], %div3A_160 {strides = array<i32>} : memref<2048x1xf32, #tpu.memory_space<vmem>>, vector<2048x1xf32>,
    return
  }
  func.func @transform_0(%arg0: i32) -> (i32, i32) {
    %c0_i32 = arith.constant 0 : i32
    %c0_i32_0 = arith.constant 0 : i32
    return %arg0, %c0_i32 : i32, i32
  }
  func.func @transform_1(%arg0: i32) -> (i32, i32) {
    %c0_i32 = arith.constant 0 : i32
    %c0_i32_0 = arith.constant 0 : i32
    return %arg0, %c0_i32 : i32, i32
  }
  func.func @transform_2(%arg0: i32) -> (i32, i32) {
    %c0_i32 = arith.constant 0 : i32
    %c0_i32_0 = arith.constant 0 : i32
    return %arg0, %c0_i32 : i32, i32
  }
  func.func @transform_3(%arg0: i32) -> (i32, i32) {
    %c0_i32 = arith.constant 0 : i32
    %c0_i32_0 = arith.constant 0 : i32
    return %arg0, %c0_i32 : i32, i32
  }
  func.func @transform_4(%arg0: i32) -> (i32, i32) {
    %c0_i32 = arith.constant 0 : i32
    %c0_i32_0 = arith.constant 0 : i32
    return %arg0, %c0_i32 : i32, i32
  }
  func.func @transform_5(%arg0: i32) -> (i32, i32) {
    %c0_i32 = arith.constant 0 : i32
    %c0_i32_0 = arith.constant 0 : i32
    return %arg0, %c0_i32 : i32, i32
  }
  func.func @transform_6(%arg0: i32) -> (i32, i32) {
    %c0_i32 = arith.constant 0 : i32
    %c0_i32_0 = arith.constant 0 : i32
    %c0_i32_1 = arith.constant 0 : i32
    return %c0_i32, %c0_i32_0 : i32, i32
  }
  func.func @transform_7(%arg0: i32) -> (i32, i32) {
    %c0_i32 = arith.constant 0 : i32
    %c0_i32_0 = arith.constant 0 : i32
    %c0_i32_1 = arith.constant 0 : i32
    return %c0_i32, %c0_i32_0 : i32, i32
  }
  func.func @transform_8(%arg0: i32) -> i32 {
    %c0_i32 = arith.constant 0 : i32
    %c0_i32_0 = arith.constant 0 : i32
    return %c0_i32 : i32
  }
  func.func @transform_9(%arg0: i32) -> (i32, i32) {
    %c0_i32 = arith.constant 0 : i32
    %c0_i32_0 = arith.constant 0 : i32
    %c0_i32_1 = arith.constant 0 : i32
    return %c0_i32, %c0_i32_0 : i32, i32
  }
  func.func @transform_10(%arg0: i32) -> i32 {
    %c0_i32 = arith.constant 0 : i32
    %c0_i32_0 = arith.constant 0 : i32
    return %c0_i32 : i32
  }
  func.func @transform_11(%arg0: i32) -> (i32, i32) {
    %c0_i32 = arith.constant 0 : i32
    %c0_i32_0 = arith.constant 0 : i32
    %c0_i32_1 = arith.constant 0 : i32
    return %c0_i32, %c0_i32_0 : i32, i32
  }
  func.func @transform_12(%arg0: i32) -> (i32, i32) {
    %c0_i32 = arith.constant 0 : i32
    %c0_i32_0 = arith.constant 0 : i32
    %c0_i32_1 = arith.constant 0 : i32
    return %c0_i32, %c0_i32_0 : i32, i32
  }
  func.func @transform_13(%arg0: i32) -> (i32, i32) {
    %c0_i32 = arith.constant 0 : i32
    %c0_i32_0 = arith.constant 0 : i32
    return %arg0, %c0_i32 : i32, i32
  }
}

</mosaic_0001>

<sc_bundles>
// kernel: kernel.4.cloned.1.call-start
scs
__scs_entry_jumppad:
0x0: {  	(pc) =	sbr.rel $0x88, $3  }
0x1: {  	(tag) =	ssettag $0x0;
	lr =	simm.s32 $0x1  }
0x2: {  	[smem:$0x3F93] =	sst lr;
	_ =	strace $0xD0000000  }
0x3: {  	_ = 	snop  }
0x4: {  	_ = 	snop  }
0x5: {  	_ = 	snop  }
0x6: {  	_ = 	snop  }
0x7: {  	_ = 	snop  }
__scs_overlays_trampoline_lowered:
0x8: {  	[smem:$0x3FA2] =	sst s0  }
0x9: {  	[smem:$0x3FA3] =	sst s1  }
0xa: {  	[smem:$0x3FA4] =	sst s2  }
0xb: {  	[smem:$0x3FA5] =	sst s3  }
0xc: {  	[smem:$0x3FA6] =	sst s4  }
0xd: {  	[smem:$0x3FA7] =	sst s5  }
0xe: {  	[smem:$0x3FA8] =	sst s6  }
0xf: {  	[smem:$0x3FA9] =	sst s7  }
0x10: {  	[smem:$0x3FAA] =	sst s8  }
0x11: {  	[smem:$0x3FAB] =	sst s9;
	s0 =	simm.s32 @!p0 $0x0  }
0x12: {  	s1 =	sld [smem:$0x3F91];
	s0 =	simm.s32 @p0 $0x1  }
0x13: {  	[smem:$0x3FAC] =	sst s0;
	s0 =	simm.s32 @!p1 $0x0  }
0x14: {  	s2 =	sld [smem:$0x3F90];
	s0 =	simm.s32 @p1 $0x1  }
0x15: {  	[smem:$0x3FAD] =	sst s0;
	s0 =	simm.s32 @!p2 $0x0  }
0x16: {  	s3 =	sld [smem:$0x3FDB];
	s0 =	simm.s32 @p2 $0x1  }
0x17: {  	s4 =	simm.s32 $0x1BF5;
	[smem:$0x3FAF] =	sst s0  }
0x18: {  	s0 =	sld [smem:$0x3F92];
	_ =	swait.ge [sflag:s4], $0x0  }
0x19: {  	s7 =	sld [smem:$0x3F93]  }
0x1a: {  	s8 =	sadd.s32 $0xFFFFE003, lr  }
0x1b: {  	s9 =	sadd.s32 $0xFFFFFEF7, lr;
	s5 =	simm.s32 $0xFFFFFFFF;
	p2 =	slt.u32 s8, $0xFFFFF086  }
0x1c: {  	p1 =	slt.u32 s9, $0xF7A;
	s5 =	simm.s32 @!p2 $0x0  }
0x1d: {  	s5 =	simm.s32 @p1 $0x1;
	p0 =	seq.s32 s7, s2  }
0x1e: {  	s7 =	smul.u32 @!p0 $0xF7A, s2;
	p2 =	seq.s32 @!p0 s5, $0x0  }
0x1f: {  	s9 =	smul.u32 $0xF7A, s1;
	s8 =	simm.s32 @!p0 $0x1BF5;
	p2 =	por !p2, p0  }
0x20: {  	[sflag:s8] =	ssyncset.s32 @!p0 $0xFFFFF086;
	s6 =	sadd.s32 @!p0 s3, s7;
	s7 =	simm.s32 @!p0 $0x108  }
0x21: {  	s3 =	sadd.s32 s3, s9;
	s6 =	sadd.s32 @!p0 $0x88, s6;
	s7 =	simm.s32 @p2 $0x1082  }
0x22: {  	[simem:s7], [sflag:s8] =	dma.local @!p0 [hbm:s6], $0xF7A  }
0x23: {  	s9 =	sor.u32 $0xD0000000, s2;
	s6 =	simm.s32 $0x108;
	_ =	swait.ge @!p0 [sflag:s8], $0x0  }
0x24: {  	s3 =	sadd.s32 $0x88, s3;
	s6 =	simm.s32 @!p1 $0x1082;
	[sflag:s4] =	ssyncset.s32 $0xFFFFF086  }
0x25: {  	[simem:s6], [sflag:s4] =	dma.local [hbm:s3], $0xF7A  }
0x26: {  	[smem:$0x3F93] =	sst s1;
	(tag) =	ssettag s2;
	_ =	strace s9  }
0x27: {  	s1 =	sld [smem:$0x3FA3]  }
0x28: {  	s2 =	sld [smem:$0x3FA4]  }
0x29: {  	s4 =	sld [smem:$0x3FA6]  }
0x2a: {  	p0 =	seq.s32 s5, $0x0;
	s5 =	sld [smem:$0x3FA7]  }
0x2b: {  	s6 =	sld [smem:$0x3FA8]  }
0x2c: {  	s7 =	sld [smem:$0x3FA9]  }
0x2d: {  	s3 =	simm.s32 $0x108;
	s8 =	sld [smem:$0x3FAA]  }
0x2e: {  	s3 =	simm.s32 @!p0 $0x1082;
	s9 =	sld [smem:$0x3FAB]  }
0x2f: {  	lr =	sadd.s32 s0, s3;
	s0 =	sld [smem:$0x3FA2]  }
0x30: {  	s3 =	sld [smem:$0x3FA5]  }
0x31: {  	[smem:$0x3FAE] =	sst s10  }
0x32: {  	s10 =	sld [smem:$0x3FAC];
	_ =	sdelay $0x3  }
0x33: {  	p0 =	seq.s32 s10, $0x1;
	s10 =	sld [smem:$0x3FAE];
	_ =	sdelay $0x3  }
0x34: {  	[smem:$0x3FAE] =	sst s10  }
0x35: {  	s10 =	sld [smem:$0x3FAD];
	_ =	sdelay $0x3  }
0x36: {  	p1 =	seq.s32 s10, $0x1;
	s10 =	sld [smem:$0x3FAE];
	_ =	sdelay $0x3  }
0x37: {  	[smem:$0x3FAE] =	sst s10  }
0x38: {  	s10 =	sld [smem:$0x3FAF]  }
0x39: {  	_ = 	snop;
	(pc) =	sbr.ind lr, $3  }
0x3a: {  	_ = 	snop  }
0x3b: {  	_ = 	snop  }
0x3c: {  	p2 =	seq.s32 s10, $0x1;
	s10 =	sld [smem:$0x3FAE]  }
0x3d: {  	_ =	shalt  }
0x3e: {  	_ =	shalt  }
0x3f: {  	_ =	shalt  }
0x40: {  	_ =	shalt  }
0x41: {  	_ =	shalt  }
0x42: {  	_ =	shalt  }
0x43: {  	_ =	shalt  }
0x44: {  	_ =	shalt  }
0x45: {  	_ =	shalt  }
0x46: {  	_ =	shalt  }
0x47: {  	_ =	shalt  }
0x48: {  	_ =	shalt  }
0x49: {  	_ =	shalt  }
0x4a: {  	_ =	shalt  }
0x4b: {  	_ =	shalt  }
0x4c: {  	_ =	shalt  }
0x4d: {  	_ =	shalt  }
0x4e: {  	_ =	shalt  }
0x4f: {  	_ =	shalt  }
0x50: {  	_ =	shalt  }
0x51: {  	_ =	shalt  }
0x52: {  	_ =	shalt  }
0x53: {  	_ =	shalt  }
0x54: {  	_ =	shalt  }
0x55: {  	_ =	shalt  }
0x56: {  	_ =	shalt  }
0x57: {  	_ =	shalt  }
0x58: {  	_ =	shalt  }
0x59: {  	_ =	shalt  }
0x5a: {  	_ =	shalt  }
0x5b: {  	_ =	shalt  }
0x5c: {  	_ =	shalt  }
0x5d: {  	_ =	shalt  }
0x5e: {  	_ =	shalt  }
0x5f: {  	_ =	shalt  }
0x60: {  	_ =	shalt  }
0x61: {  	_ =	shalt  }
0x62: {  	_ =	shalt  }
0x63: {  	_ =	shalt  }
0x64: {  	_ =	shalt  }
0x65: {  	_ =	shalt  }
0x66: {  	_ =	shalt  }
0x67: {  	_ =	shalt  }
0x68: {  	_ =	shalt  }
0x69: {  	_ =	shalt  }
0x6a: {  	_ =	shalt  }
0x6b: {  	_ =	shalt  }
0x6c: {  	_ =	shalt  }
0x6d: {  	_ =	shalt  }
0x6e: {  	_ =	shalt  }
0x6f: {  	_ =	shalt  }
0x70: {  	_ =	shalt  }
0x71: {  	_ =	shalt  }
0x72: {  	_ =	shalt  }
0x73: {  	_ =	shalt  }
0x74: {  	_ =	shalt  }
0x75: {  	_ =	shalt  }
0x76: {  	_ =	shalt  }
0x77: {  	_ =	shalt  }
0x78: {  	_ =	shalt  }
0x79: {  	_ =	shalt  }
0x7a: {  	_ =	shalt  }
0x7b: {  	_ =	shalt  }
0x7c: {  	_ =	shalt  }
0x7d: {  	_ =	shalt  }
0x7e: {  	_ =	shalt  }
0x7f: {  	_ =	shalt  }
0x80: {  	_ =	shalt  }
0x81: {  	_ =	shalt  }
0x82: {  	_ =	shalt  }
0x83: {  	_ =	shalt  }
0x84: {  	_ =	shalt  }
0x85: {  	_ =	shalt  }
0x86: {  	_ =	shalt  }
0x87: {  	_ =	shalt  }
.Lfunc_end0:
.L_simem_size_0:
called_computation_lowered:
.L_overlay_start_0:
0x88: {  	s2 =	sld [smem:$0x3FD9]  }
0x89: {  	s3 =	sld [smem:$0x3FFE];
	_ =	sdelay $0x1  }
0x8a: {  	s1 =	srdreg.scid  }
0x8b: {  	s0 =	sand.u32 $0x1, s1  }
0x8c: {  	s17 =	sshll.u32 s0, $0xA;
	s2 =	sadd.s32 s3, s2  }
0x8d: {  	s2 =	sadd.s32 s2, s17  }
0x8e: {  	[smem:$0x3FBA] =	sst s2  }
0x8f: {  	_ = 	snop  }
0x90: {  	s2 =	sld [smem:$0x3FC9]  }
0x91: {  	s18 =	sld [smem:$0x3FC8]  }
0x92: {  	s4 =	sld [smem:$0x3FD0];
	(tm) =	ssettm $0x1  }
0x93: {  	s5 =	sld [smem:$0x3FFB];
	_ =	sdelay $0x3  }
0x94: {  	_ =	strace s5  }
0x95: {  	s5 =	sld [smem:$0x3FFC];
	_ =	sdelay $0x3  }
0x96: {  	_ =	strace s5  }
0x97: {  	s5 =	sld [smem:$0x3FFD];
	_ =	sdelay $0x3  }
0x98: {  	_ =	strace s5  }
0x99: {  	_ =	strace $0x8FFFFFFF  }
0x9a: {  	s19 =	sld [smem:$0x3FDB];
	_ =	sdelay $0x1  }
0x9b: {  	s6 =	simm.s32 $_scs_section_size  }
0x9c: {  	s7 =	simm.s32 $_size__tile_overlayer_lowered;
	s8 =	simm.s32 $_tile_overlayer_lowered  }
0x9d: {  	s22 =	simm.s32 $0x1BFF;
	s21 =	sshll.u32 s8, $0x1;
	s5 =	sadd.s32 s6, s19  }
0x9e: {  	s9 =	simm.s32 $0x0;
	s20 =	sshll.u32 s7, $0x1;
	s7 =	sadd.s32 s21, s5  }
0x9f: {  	[timem:s9], [sflag:s22] =	dma.local [hbm:s7], s20  }
0xa0: {  	_ =	swait.ge [sflag:s22], s20  }
0xa1: {  	s6 =	ssub.s32 $0x0, s20;
	[sflag:s22] =	ssyncset.done $0x0  }
0xa2: {  	[sflag:s22] =	ssyncadd.s32 s6;
	_ =	sdelay $0x1  }
0xa3: {  	s23 =	simm.s32 $0x1B8B  }
0xa4: {  	_ =	swait.ge [sflag:s23], $0x1  }
0xa5: {  	[sflag:s23] =	ssyncset.done $0x0  }
0xa6: {  	s25 =	simm.s32 $0x1B8E;
	s24 =	sld [smem:$0x3FFE];
	[sflag:s23] =	ssyncadd.s32 $0xFFFFFFFF  }
0xa7: {  	s26 =	simm.s32 $execute0_lowered;
	[smem:$0x3FD2] =	sst s25  }
0xa8: {  	s7 =	sshll.u32 s26, $0x1;
	_ =	strace $0x80000046;
	[dreg:$0x1] =	wrdreg $0xFFFFFFFF  }
0xa9: {  	s28 =	simm.s32 $_size_execute0_lowered;
	s5 =	sadd.s32 s5, s7;
	[dreg:$0x0] =	wrdreg $0x0  }
0xaa: {  	s7 =	sshll.u32 s28, $0x1;
	[dreg:$0x2] =	wrdreg s5  }
0xab: {  	[dreg:$0x3] =	wrdreg s7  }
0xac: {  	[dreg:$0x4] =	wrdreg $0xC0  }
0xad: {  	_ =	task [dreg:s9], $0x5FFFF  }
0xae: {  	[dreg:$0x1] =	wrdreg $0xFFFFFFFF  }
0xaf: {  	[dreg:$0x0] =	wrdreg $0x60  }
0xb0: {  	[dreg:$0x2] =	wrdreg s24  }
0xb1: {  	[dreg:$0x3] =	wrdreg s2  }
0xb2: {  	[dreg:$0x4] =	wrdreg s18  }
0xb3: {  	[dreg:$0x5] =	wrdreg s4  }
0xb4: {  	[dreg:$0x6] =	wrdreg $0x9  }
0xb5: {  	_ =	task.clear_ibuf [dreg:s9], $0x7FFFF;
	_ =	strace $0x90000046  }
0xb6: {  	s29 =	simm.s32 $0x9;
	_ =	strace $0x80000048  }
0xb7: {  	_ =	swait.ge [sflag:s29], $0x1  }
0xb8: {  	[sflag:s29] =	ssyncadd.s32 $0xFFFFFFFF  }
0xb9: {  	_ =	strace $0x90000048  }
0xba: {  	_ =	sfence  }
0xbb: {  	s30 =	sld [smem:$0x0];
	_ =	sdelay $0x2  }
0xbc: {  	s31 =	sshll.u32 s1, $0xD;
	s1 =	sshrl.u32 s1, $0x2  }
0xbd: {  	s3 =	sand.u32 $0x4000, s31;
	s1 =	sadd.s32 s1, s30  }
0xbe: {  	s0 =	sor.u32 s3, s0;
	s1 =	sshll.u32 s1, $0x11  }
0xbf: {  	s0 =	sor.u32 s1, s0  }
0xc0: {  	s0 =	sadd.s32 $0x8F2B, s0  }
0xc1: {  	[sflag:s0] =	ssyncadd.remote.s32 $0x1  }
0xc2: {  	_ =	sfence.sel $0xFFFF  }
0xc3: {  	[dreg:$0x0] =	wrdreg $0xFFFFFFFF;
	(pc) =	sbr.abs _section_cstart, $3  }
0xc4: {  	[dreg:$0x1] =	wrdreg $0xFFFFFFFF  }
0xc5: {  	_ =	task.clear_ibuf [dreg:s9], $0x2FFFF;
	_ =	strace $0x9FFFFFFF  }
0xc6: {  	(tm) =	ssettm $0x7FFFFFFF  }
0xc7: {  	_ =	shalt  }
tec
execute0_lowered:
.L_overlay_start_1:
0x0: {  	(tag) =	ssettag $0x1  }
0x1: {  	s24 =	rddreg [dreg:$0x0]  }
0x2: {  	s3 =	rddreg [dreg:$0x1];
	s1 =	srdreg.scid  }
0x3: {  	s5 =	rddreg [dreg:$0x2];
	s0 =	stileid.u32;
	s23 =	sand.u32 $0x1, s1  }
0x4: {  	s7 =	rddreg [dreg:$0x3];
	s4 =	sshll.u32 s0, $0xA;
	s6 =	sshll.u32 s23, $0x9  }
0x5: {  	s2 =	simm.s32 $0x0;
	s1 =	rddreg [dreg:$0x4];
	s25 =	sor.u32 s6, s4  }
0x6: {  	[smem:$0x7FF] =	sst s2;
	s8 =	sshrl.u32 s25, $0x3  }
0x7: {  	_ =	strace $0x80000047;
	s4 =	sadd.s32 s3, s8;
	s3 =	simm.s32 $0x2  }
0x8: {  	[tilespmem:s2], [sflag:$0x2] =	stream.linear.gather [hbm4b:s4+s2], $0x200, $0x38;
	[tilespmem:$0x19600] =	vst v63  }
0x9: {  	_ =	swait.ge [sflag:s3], $0x200  }
0xa: {  	[sflag:s3] =	ssyncset.done $0x0  }
0xb: {  	s6 =	simm.s32 $0x200;
	s5 =	sadd.s32 s5, s8;
	[sflag:s3] =	ssyncadd.s32 $0xFFFFFE00  }
0xc: {  	[tilespmem:s6], [sflag:$0x2] =	stream.linear.gather [hbm4b:s5+s2], $0x200, $0x38;
	[tilespmem:$0x19600] =	vst v63  }
0xd: {  	_ =	swait.ge [sflag:s3], $0x200  }
0xe: {  	[sflag:s3] =	ssyncset.done $0x0  }
0xf: {  	s7 =	sadd.s32 s7, s8;
	s8 =	simm.s32 $0x400;
	[sflag:s3] =	ssyncadd.s32 $0xFFFFFE00  }
0x10: {  	[tilespmem:s8], [sflag:$0x2] =	stream.linear.gather [hbm4b:s7+s2], $0x200, $0x38;
	[tilespmem:$0x19600] =	vst v63  }
0x11: {  	_ =	swait.ge [sflag:s3], $0x200  }
0x12: {  	[sflag:s3] =	ssyncset.done $0x0  }
0x13: {  	s10 =	simm.s32 $0x600;
	s9 =	sadd.s32 $0x1BB800, s24;
	[sflag:s3] =	ssyncadd.s32 $0xFFFFFE00  }
0x14: {  	[tilespmem:s10], [sflag:$0x1] =	stream.indirect.gather [hbm4b:s9+s6], $0x40, s2, s6, $0xb8;
	[tilespmem:$0x19600] =	vst v63  }
0x15: {  	s12 =	simm.s32 $0x8600;
	s11 =	sadd.s32 $0x342200, s24  }
0x16: {  	[tilespmem:s12], [sflag:$0x1] =	stream.indirect.gather [hbm4b:s11+s6], $0x40, s6, s6, $0xb8;
	[tilespmem:$0x19600] =	vst v63  }
0x17: {  	s14 =	simm.s32 $0x10600;
	s13 =	sadd.s32 $0x27EE00, s24  }
0x18: {  	[tilespmem:s14], [sflag:$0x1] =	stream.indirect.gather [hbm4b:s13+s6], $0x20, s8, s6, $0xb8;
	[tilespmem:$0x19600] =	vst v63  }
0x19: {  	s16 =	simm.s32 $0x14600;
	s15 =	sadd.s32 $0x4C8C00, s24  }
0x1a: {  	[tilespmem:s16], [sflag:$0x1] =	stream.indirect.gather [hbm4b:s15+s6], $0x20, s8, s6, $0xb8;
	[tilespmem:$0x19600] =	vst v63  }
0x1b: {  	s18 =	simm.s32 $0x18600;
	s19 =	simm.s32 $0x1;
	s17 =	sadd.s32 $0x4000, s24  }
0x1c: {  	[tilespmem:s18], [sflag:$0x1] =	stream.indirect.gather [hbm4b:s17+s6], $0x1, s6, s6, $0xb8;
	[tilespmem:$0x19600] =	vst v63  }
0x1d: {  	_ =	swait.ge [sflag:s19], $0x8000  }
0x1e: {  	[sflag:s19] =	ssyncset.done $0x0  }
0x1f: {  	[sflag:s19] =	ssyncadd.s32 $0xFFFF8000  }
0x20: {  	_ =	swait.ge [sflag:s19], $0x8000  }
0x21: {  	[sflag:s19] =	ssyncset.done $0x0  }
0x22: {  	[sflag:s19] =	ssyncadd.s32 $0xFFFF8000  }
0x23: {  	_ =	swait.ge [sflag:s19], $0x4000  }
0x24: {  	[sflag:s19] =	ssyncset.done $0x0  }
0x25: {  	[sflag:s19] =	ssyncadd.s32 $0xFFFFC000  }
0x26: {  	_ =	swait.ge [sflag:s19], $0x4000  }
0x27: {  	[sflag:s19] =	ssyncset.done $0x0  }
0x28: {  	[sflag:s19] =	ssyncadd.s32 $0xFFFFC000  }
0x29: {  	s20 =	sshll.u32 s25, $0x3;
	_ =	swait.ge [sflag:s19], $0x200  }
0x2a: {  	s21 =	sadd.s32 s20, s24;
	[sflag:s19] =	ssyncset.done $0x0  }
0x2b: {  	s20 =	sadd.s32 $0x34E00, s21;
	[sflag:s19] =	ssyncadd.s32 $0xFFFFFE00  }
0x2c: {  	[hbm4b:s20+s2] =	stream.linear.scatter [tilespmem:s10], [sflag:$0x2], $0x8000, $0x38;
	[tilespmem:$0x19600] =	vst v63  }
0x2d: {  	_ =	swait.ge [sflag:s3], $0x8000  }
0x2e: {  	[sflag:s3] =	ssyncset.done $0x0  }
0x2f: {  	s21 =	sadd.s32 $0x304A00, s21;
	[sflag:s3] =	ssyncadd.s32 $0xFFFF8000  }
0x30: {  	[hbm4b:s21+s2] =	stream.linear.scatter [tilespmem:s12], [sflag:$0x2], $0x8000, $0x38;
	[tilespmem:$0x19600] =	vst v63  }
0x31: {  	s22 =	sshll.u32 s25, $0x2;
	_ =	swait.ge [sflag:s3], $0x8000  }
0x32: {  	s26 =	sadd.s32 s22, s24;
	[sflag:s3] =	ssyncset.done $0x0  }
0x33: {  	s28 =	ssub.s32 $0x2, s23;
	s22 =	sadd.s32 $0x2F4A00, s26;
	[sflag:s3] =	ssyncadd.s32 $0xFFFF8000  }
0x34: {  	[hbm4b:s22+s2] =	stream.linear.scatter [tilespmem:s14], [sflag:$0x2], $0x4000, $0x38;
	[tilespmem:$0x19600] =	vst v63  }
0x35: {  	s30 =	sshrl.u32 s28, $0x1;
	_ =	swait.ge [sflag:s3], $0x4000  }
0x36: {  	s31 =	ssub.s32 s28, s30;
	s24 =	sadd.s32 s25, s24;
	[sflag:s3] =	ssyncset.done $0x0  }
0x37: {  	s25 =	smax.u32 s31, $0x1;
	s23 =	sadd.s32 $0x2E4A00, s26;
	[sflag:s3] =	ssyncadd.s32 $0xFFFFC000  }
0x38: {  	[hbm4b:s23+s2] =	stream.linear.scatter [tilespmem:s16], [sflag:$0x2], $0x4000, $0x38;
	[tilespmem:$0x19600] =	vst v63  }
0x39: {  	p0 =	sne.s32 s25, $0x1;
	_ =	swait.ge [sflag:s3], $0x4000  }
.Ltmp0:
0x3a: {  	[sflag:s3] =	ssyncset.done $0x0;
	(pc) =	sbr.rel @!p0 .LBB2_2-.Ltmp0, $4  }
0x3b: {  	s24 =	sadd.s32 $0x2E0A00, s24;
	[sflag:s3] =	ssyncadd.s32 $0xFFFFC000  }
0x3c: {  	[hbm4b:s24+s2] =	stream.linear.scatter [tilespmem:s18], [sflag:$0x2], $0x1000, $0x38;
	[tilespmem:$0x19600] =	vst v63  }
0x3d: {  	_ =	swait.ge [sflag:s3], $0x1000  }
0x3e: {  	s25 =	sadd.s32 $0xFFFFFFFF, s25;
	[sflag:s3] =	ssyncset.done $0x0  }
.LBB2_1:
0x3f: {  	p0 =	sne.s32 s25, $0x1;
	s25 =	sadd.s32 $0xFFFFFFFF, s25;
	[sflag:s3] =	ssyncadd.s32 $0xFFFFF000  }
0x40: {  	[tilespmem:s2], [sflag:$0x2] =	stream.linear.gather [hbm4b:s4+s2], $0x200, $0x38;
	[tilespmem:$0x19600] =	vst v63  }
0x41: {  	_ =	swait.ge [sflag:s3], $0x200  }
0x42: {  	[sflag:s3] =	ssyncset.done $0x0  }
0x43: {  	[sflag:s3] =	ssyncadd.s32 $0xFFFFFE00  }
0x44: {  	[tilespmem:s6], [sflag:$0x2] =	stream.linear.gather [hbm4b:s5+s2], $0x200, $0x38;
	[tilespmem:$0x19600] =	vst v63  }
0x45: {  	_ =	swait.ge [sflag:s3], $0x200  }
0x46: {  	[sflag:s3] =	ssyncset.done $0x0  }
0x47: {  	[sflag:s3] =	ssyncadd.s32 $0xFFFFFE00  }
0x48: {  	[tilespmem:s8], [sflag:$0x2] =	stream.linear.gather [hbm4b:s7+s2], $0x200, $0x38;
	[tilespmem:$0x19600] =	vst v63  }
0x49: {  	_ =	swait.ge [sflag:s3], $0x200  }
0x4a: {  	[sflag:s3] =	ssyncset.done $0x0  }
0x4b: {  	[sflag:s3] =	ssyncadd.s32 $0xFFFFFE00  }
0x4c: {  	[tilespmem:s10], [sflag:$0x1] =	stream.indirect.gather [hbm4b:s9+s6], $0x40, s2, s6, $0xb8;
	[tilespmem:$0x19600] =	vst v63  }
0x4d: {  	_ = 	snop  }
0x4e: {  	[tilespmem:s12], [sflag:$0x1] =	stream.indirect.gather [hbm4b:s11+s6], $0x40, s6, s6, $0xb8;
	[tilespmem:$0x19600] =	vst v63  }
0x4f: {  	_ = 	snop  }
0x50: {  	[tilespmem:s14], [sflag:$0x1] =	stream.indirect.gather [hbm4b:s13+s6], $0x20, s8, s6, $0xb8;
	[tilespmem:$0x19600] =	vst v63  }
0x51: {  	_ = 	snop  }
0x52: {  	[tilespmem:s16], [sflag:$0x1] =	stream.indirect.gather [hbm4b:s15+s6], $0x20, s8, s6, $0xb8;
	[tilespmem:$0x19600] =	vst v63  }
0x53: {  	_ = 	snop  }
0x54: {  	[tilespmem:s18], [sflag:$0x1] =	stream.indirect.gather [hbm4b:s17+s6], $0x1, s6, s6, $0xb8;
	[tilespmem:$0x19600] =	vst v63  }
0x55: {  	_ =	swait.ge [sflag:s19], $0x8000  }
0x56: {  	[sflag:s19] =	ssyncset.done $0x0  }
0x57: {  	[sflag:s19] =	ssyncadd.s32 $0xFFFF8000  }
0x58: {  	_ =	swait.ge [sflag:s19], $0x8000  }
0x59: {  	[sflag:s19] =	ssyncset.done $0x0  }
0x5a: {  	[sflag:s19] =	ssyncadd.s32 $0xFFFF8000  }
0x5b: {  	_ =	swait.ge [sflag:s19], $0x4000  }
0x5c: {  	[sflag:s19] =	ssyncset.done $0x0  }
0x5d: {  	[sflag:s19] =	ssyncadd.s32 $0xFFFFC000  }
0x5e: {  	_ =	swait.ge [sflag:s19], $0x4000  }
0x5f: {  	[sflag:s19] =	ssyncset.done $0x0  }
0x60: {  	[sflag:s19] =	ssyncadd.s32 $0xFFFFC000  }
0x61: {  	_ =	swait.ge [sflag:s19], $0x200  }
0x62: {  	[sflag:s19] =	ssyncset.done $0x0  }
0x63: {  	[sflag:s19] =	ssyncadd.s32 $0xFFFFFE00  }
0x64: {  	[hbm4b:s20+s2] =	stream.linear.scatter [tilespmem:s10], [sflag:$0x2], $0x8000, $0x38;
	[tilespmem:$0x19600] =	vst v63  }
0x65: {  	_ =	swait.ge [sflag:s3], $0x8000  }
0x66: {  	[sflag:s3] =	ssyncset.done $0x0  }
0x67: {  	[sflag:s3] =	ssyncadd.s32 $0xFFFF8000  }
0x68: {  	[hbm4b:s21+s2] =	stream.linear.scatter [tilespmem:s12], [sflag:$0x2], $0x8000, $0x38;
	[tilespmem:$0x19600] =	vst v63  }
0x69: {  	_ =	swait.ge [sflag:s3], $0x8000  }
0x6a: {  	[sflag:s3] =	ssyncset.done $0x0  }
0x6b: {  	[sflag:s3] =	ssyncadd.s32 $0xFFFF8000  }
0x6c: {  	[hbm4b:s22+s2] =	stream.linear.scatter [tilespmem:s14], [sflag:$0x2], $0x4000, $0x38;
	[tilespmem:$0x19600] =	vst v63  }
0x6d: {  	_ =	swait.ge [sflag:s3], $0x4000  }
0x6e: {  	[sflag:s3] =	ssyncset.done $0x0  }
0x6f: {  	[sflag:s3] =	ssyncadd.s32 $0xFFFFC000  }
0x70: {  	[hbm4b:s23+s2] =	stream.linear.scatter [tilespmem:s16], [sflag:$0x2], $0x4000, $0x38;
	[tilespmem:$0x19600] =	vst v63  }
0x71: {  	_ =	swait.ge [sflag:s3], $0x4000  }
.Ltmp1:
0x72: {  	[sflag:s3] =	ssyncset.done $0x0;
	(pc) =	sbr.rel @p0 .LBB2_1-.Ltmp1, $4  }
0x73: {  	[sflag:s3] =	ssyncadd.s32 $0xFFFFC000  }
0x74: {  	[hbm4b:s24+s2] =	stream.linear.scatter [tilespmem:s18], [sflag:$0x2], $0x1000, $0x38;
	[tilespmem:$0x19600] =	vst v63  }
0x75: {  	_ =	swait.ge [sflag:s3], $0x1000  }
0x76: {  	[sflag:s3] =	ssyncset.done $0x0  }
.LBB2_2:
0x77: {  	[sflag:s3] =	ssyncadd.s32 $0xFFFFF000  }
0x78: {  	_ =	sfence.sel $0x180000  }
0x79: {  	[bflag:$0x0] =	sbarrier.arrive $0xFFFF  }
0x7a: {  	p0 =	sne.s32 s0, $0x0;
	_ =	strace $0x90000047  }
0x7b: {  	s0 =	sadd.s32 @!p0 $0x100000, s1;
	[bflag:$0x2] =	sbarrier.arrive $0xFFFF  }
0x7c: {  	[sflag:s0] =	ssyncadd.tile.s32 @!p0 $0x1;
	_ =	shalt  }
.Lfunc_end2:
_tile_overlayer_lowered:
.L_overlay_start_2:
0x7d: {  	(tag) =	ssettag $0x2  }
0x7e: {  	s0 =	rddreg [dreg:$0x0];
	s2 =	stileid.u32  }
0x7f: {  	s1 =	rddreg [dreg:$0x1];
	p0 =	sne.s32 s2, $0x0  }
0x80: {  	s3 =	rddreg [dreg:$0x2];
	[bflag:$0x3] =	sbarrier.arrive $0xFFFF;
	s2 =	simm.s32 @!p0 $0x1C02  }
0x81: {  	[timem:s3], [sflag:s2] =	dma.local @!p0 [hbm:s0], s1  }
0x82: {  	s0 =	simm.s32 @!p0 $0x2  }
0x83: {  	_ =	swait.ge @!p0 [sflag:s0], s1  }
0x84: {  	s1 =	ssub.s32 @!p0 $0x0, s1;
	[sflag:s0] =	ssyncset.done @!p0 $0x0  }
0x85: {  	[sflag:s0] =	ssyncadd.s32 @!p0 s1  }
0x86: {  	[bflag:$0x3] =	sbarrier.arrive $0xFFFF  }
0x87: {  	_ =	shalt  }

</sc_bundles>
